<compile_context>
chip_gen: v7x
topology: tpu7x:2x2x1
jax: 0.10.2.dev20260603
libtpu: 0.0.44.dev20260713+nightly
codegen_flags: <defaults>
</compile_context>

<pallas_src>
import functools

import jax
import jax.numpy as jnp
from jax import lax
from jax.experimental import pallas as pl
from jax.experimental.pallas import tpu as pltpu
from jax.experimental.pallas import tpu_sc as plsc

_N = 10000
_E = 320000
_D = 128
_H = 128
_C = 40

_NC = 2
_NS = 16
_EPT = 10240
_EPAD = _NC * _NS * _EPT
_NACC = 10016
_RPT = _NACC // _NS
_W0 = 128
_WSL = 64
_DW = 16
_DR = 640
_W1 = 48
_K = 128
_CH = 16
_NBLK0 = 2 * _EPT // _K
_NCH = _NBLK0 // _CH
_NBLK1 = _EPT // _K


def _fill(buf, rows, width, value, dtype, lanes):
  z = jnp.full((lanes,), value, dtype)
  cpr = width // lanes

  def b(i, carry):
    buf[i // cpr, pl.ds((i % cpr) * lanes, lanes)] = z
    return carry

  lax.fori_loop(0, rows * cpr, b, 0)


def _zero_slice(dst_sh, buf, k, sid):
  base = sid * _RPT
  nfull = _RPT // k
  rem = _RPT - nfull * k
  for t in range(nfull):
    pltpu.sync_copy(buf, dst_sh.at[pl.ds(base + t * k, k)])
  if rem:
    pltpu.sync_copy(buf.at[pl.ds(0, rem)],
                    dst_sh.at[pl.ds(base + nfull * k, rem)])


def _get_mesh():
  return plsc.VectorSubcoreMesh(core_axis_name="c", subcore_axis_name="s",
                                num_cores=_NC, num_subcores=_NS)


def _make_seg0():

  @functools.partial(
      pl.kernel,
      mesh=_get_mesh(),
      compiler_params=pltpu.CompilerParams(use_tc_tiling_on_sc=False),
      out_type=(
          jax.ShapeDtypeStruct((_NACC, _W0), jnp.bfloat16),
          jax.ShapeDtypeStruct((_NC, _NACC, _DW), jnp.float32),
      ),
      scratch_types=[
          pltpu.VMEM((_CH, _K), jnp.int32),
          pltpu.VMEM((_CH, _K), jnp.int32),
          pltpu.VMEM((_CH, _K), jnp.int32),
          pltpu.VMEM((_CH, _K), jnp.int32),
          pltpu.VMEM((_K, _WSL), jnp.bfloat16),
          pltpu.VMEM((_K, _WSL), jnp.bfloat16),
          pltpu.VMEM((_K, _DW), jnp.float32),
          pltpu.VMEM_SHARED((_NACC, _WSL), jnp.bfloat16),
          pltpu.VMEM_SHARED((_NACC, _WSL), jnp.bfloat16),
          pltpu.VMEM_SHARED((_NACC, _DW), jnp.float32),
          pltpu.SemaphoreType.DMA,
          pltpu.SemaphoreType.DMA,
          pltpu.SemaphoreType.DMA,
          pltpu.SemaphoreType.DMA,
      ],
  )
  def seg(table_hbm, src_hbm, dst_hbm, out_hbm, deg_hbm,
          sbuf0, dbuf0, sbuf1, dbuf1, rows0_v, rows1_v, ones_v,
          table_sh, acc_sh, deg_sh, isem0, isem1, rsem0, rsem1):
    cid = lax.axis_index("c")
    sid = lax.axis_index("s")
    col0 = cid * _WSL

    def load_idx(c, sbuf, dbuf, isem):
      pltpu.async_copy(src_hbm.at[sid, pl.ds(c * _CH, _CH)], sbuf, isem)
      pltpu.async_copy(dst_hbm.at[sid, pl.ds(c * _CH, _CH)], dbuf, isem)

    def wait_idx(c, sbuf, dbuf, isem):
      pltpu.make_async_copy(src_hbm.at[sid, pl.ds(c * _CH, _CH)], sbuf,
                            isem).wait()
      pltpu.make_async_copy(dst_hbm.at[sid, pl.ds(c * _CH, _CH)], dbuf,
                            isem).wait()

    load_idx(0, sbuf0, dbuf0, isem0)

    @pl.when(sid < _NS - 1)
    def _():
      pltpu.sync_copy(
          table_hbm.at[pl.ds(sid * _RPT, _RPT), pl.ds(col0, _WSL)],
          table_sh.at[pl.ds(sid * _RPT, _RPT)])

    @pl.when(sid == _NS - 1)
    def _():
      last = _N - (_NS - 1) * _RPT
      pltpu.sync_copy(
          table_hbm.at[pl.ds((_NS - 1) * _RPT, last), pl.ds(col0, _WSL)],
          table_sh.at[pl.ds((_NS - 1) * _RPT, last)])
    _fill(rows0_v, _K, _WSL, 0, jnp.bfloat16, 32)
    _zero_slice(acc_sh, rows0_v, _K, sid)
    _fill(ones_v, _K, _DW, 0.0, jnp.float32, 16)
    _zero_slice(deg_sh, ones_v, _K, sid)
    _fill(ones_v, _K, _DW, 1.0, jnp.float32, 16)
    plsc.subcore_barrier()

    def scat(rows_v, dref, parity):
      pltpu.sync_copy(rows_v, acc_sh.at[dref], add=True)

      @pl.when(cid == parity)
      def _():
        pltpu.sync_copy(ones_v, deg_sh.at[dref], add=True)

    def chunk(c, sbuf, dbuf):
      pltpu.async_copy(table_sh.at[sbuf.at[0]], rows0_v, rsem0)

      def pair(i, carry):
        pltpu.async_copy(table_sh.at[sbuf.at[2 * i + 1]], rows1_v, rsem1)
        pltpu.make_async_copy(table_sh.at[sbuf.at[2 * i]], rows0_v,
                              rsem0).wait()
        scat(rows0_v, dbuf.at[2 * i], 0)

        @pl.when(2 * i + 2 < _CH)
        def _():
          pltpu.async_copy(table_sh.at[sbuf.at[2 * i + 2]], rows0_v, rsem0)

        pltpu.make_async_copy(table_sh.at[sbuf.at[2 * i + 1]], rows1_v,
                              rsem1).wait()
        scat(rows1_v, dbuf.at[2 * i + 1], 1)
        return carry

      lax.fori_loop(0, _CH // 2, pair, 0)

    def outer(m, carry):
      c0 = 2 * m
      c1 = 2 * m + 1
      wait_idx(c0, sbuf0, dbuf0, isem0)
      load_idx(c1, sbuf1, dbuf1, isem1)
      chunk(c0, sbuf0, dbuf0)
      wait_idx(c1, sbuf1, dbuf1, isem1)

      @pl.when(c1 + 1 < _NCH)
      def _():
        load_idx(c1 + 1, sbuf0, dbuf0, isem0)

      chunk(c1, sbuf1, dbuf1)
      return carry

    lax.fori_loop(0, _NCH // 2, outer, 0)

    plsc.subcore_barrier()
    rsl = pl.ds(sid * _RPT, _RPT)
    pltpu.sync_copy(acc_sh.at[rsl], out_hbm.at[rsl, pl.ds(col0, _WSL)])
    pltpu.sync_copy(deg_sh.at[rsl], deg_hbm.at[cid, rsl])

  return seg


def _make_seg1():

  @functools.partial(
      pl.kernel,
      mesh=_get_mesh(),
      compiler_params=pltpu.CompilerParams(use_tc_tiling_on_sc=False),
      out_type=jax.ShapeDtypeStruct((_NC, _NACC, _W1), jnp.bfloat16),
      scratch_types=[
          pltpu.VMEM((_NBLK1, _K), jnp.int32),
          pltpu.VMEM((_NBLK1, _K), jnp.int32),
          pltpu.VMEM((_K, _W1), jnp.bfloat16),
          pltpu.VMEM((_K, _W1), jnp.bfloat16),
          pltpu.VMEM_SHARED((_NACC, _W1), jnp.bfloat16),
          pltpu.VMEM_SHARED((_NACC, _W1), jnp.bfloat16),
          pltpu.SemaphoreType.DMA,
          pltpu.SemaphoreType.DMA,
      ],
  )
  def seg(table_hbm, src_hbm, dst_hbm, out_hbm,
          src_v, dst_v, rows0_v, rows1_v, table_sh, acc_sh, sem0, sem1):
    cid = lax.axis_index("c")
    sid = lax.axis_index("s")

    pltpu.sync_copy(src_hbm.at[cid, sid], src_v)
    pltpu.sync_copy(dst_hbm.at[cid, sid], dst_v)
    pltpu.sync_copy(table_hbm.at[pl.ds(sid * _RPT, _RPT)],
                    table_sh.at[pl.ds(sid * _RPT, _RPT)])
    z32 = jnp.zeros((32,), jnp.bfloat16)

    def zrow(i, carry):
      rows0_v[i, pl.ds(0, 32)] = z32
      rows0_v[i, pl.ds(_W1 - 32, 32)] = z32
      return carry

    lax.fori_loop(0, _K, zrow, 0)
    _zero_slice(acc_sh, rows0_v, _K, sid)
    plsc.subcore_barrier()

    pltpu.async_copy(table_sh.at[src_v.at[0]], rows0_v, sem0)

    def pair(i, carry):
      j = 2 * i
      pltpu.async_copy(table_sh.at[src_v.at[j + 1]], rows1_v, sem1)
      pltpu.make_async_copy(table_sh.at[src_v.at[j]], rows0_v, sem0).wait()
      pltpu.sync_copy(rows0_v, acc_sh.at[dst_v.at[j]], add=True)

      @pl.when(j + 2 < _NBLK1)
      def _():
        pltpu.async_copy(table_sh.at[src_v.at[j + 2]], rows0_v, sem0)

      pltpu.make_async_copy(table_sh.at[src_v.at[j + 1]], rows1_v,
                            sem1).wait()
      pltpu.sync_copy(rows1_v, acc_sh.at[dst_v.at[j + 1]], add=True)
      return carry

    lax.fori_loop(0, _NBLK1 // 2, pair, 0)

    plsc.subcore_barrier()
    pltpu.sync_copy(acc_sh.at[pl.ds(sid * _RPT, _RPT)],
                    out_hbm.at[cid, pl.ds(sid * _RPT, _RPT)])

  return seg


_sc_cache = {}


def _sc(kind):
  if kind not in _sc_cache:
    _sc_cache[kind] = _make_seg0() if kind == "seg0" else _make_seg1()
  return _sc_cache[kind]


_R = 1000


def _layerB_body(x_ref, p0_ref, deg_ref, ws0_ref, wn0_ref, b0_ref, ws1_ref,
                 wn1_ref, b1_ref, t1_ref, hse_ref):
  agg = p0_ref[...].astype(jnp.float32)
  deg = deg_ref[0, :, 0:1] + deg_ref[1, :, 0:1]
  inv = 1.0 / jnp.maximum(deg, 1.0)
  hn = jnp.dot(agg * inv, wn0_ref[...], preferred_element_type=jnp.float32)
  hself = jnp.dot(x_ref[...], ws0_ref[...].astype(jnp.bfloat16),
                  preferred_element_type=jnp.float32)
  h = hself + hn + b0_ref[...][None, :]
  h = jnp.maximum(h, 0.0)
  t1 = jnp.dot(h, wn1_ref[...], preferred_element_type=jnp.float32)
  hs = jnp.dot(h, ws1_ref[...], preferred_element_type=jnp.float32)
  hs = hs + b1_ref[...][None, :]
  t1_ref[...] = jnp.concatenate(
      [t1, jnp.zeros((_R, _W1 - _C), jnp.float32)], axis=1
  ).astype(jnp.bfloat16)
  zpad = jnp.zeros((_R, 7), jnp.float32)
  hse_ref[...] = jnp.concatenate([hs, inv, zpad], axis=1).astype(jnp.bfloat16)


def _layerC_body(p1_ref, hse_ref, o_ref):
  s = p1_ref[0].astype(jnp.float32) + p1_ref[1].astype(jnp.float32)
  hse = hse_ref[...].astype(jnp.float32)
  inv = hse[:, _C:_C + 1]
  o_ref[...] = hse[:, :_C] + s[:, :_C] * inv


def kernel(features, edge_index, W_self0, W_neigh0, b0, W_self1, W_neigh1, b1):
  src = edge_index[0]
  dst = edge_index[1]
  pad = _EPAD - _E
  src_p = jnp.concatenate([src, jnp.full((pad,), _N, jnp.int32)])
  dst_p = jnp.concatenate([dst, jnp.full((pad,), _N, jnp.int32)])
  src_cs = src_p.reshape(_NS, _NBLK0, _K)
  dst_cs = dst_p.reshape(_NS, _NBLK0, _K)
  src_r = src_p.reshape(_NC, _NS, _NBLK1, _K)
  dst_r = dst_p.reshape(_NC, _NS, _NBLK1, _K)

  nb = _N // _R

  xb = features.astype(jnp.bfloat16)
  p0, deg = _sc("seg0")(xb, src_cs, dst_cs)

  t1, hse = pl.pallas_call(
      _layerB_body,
      grid=(nb,),
      in_specs=[
          pl.BlockSpec((_R, _D), lambda i: (i, 0)),
          pl.BlockSpec((_R, _W0), lambda i: (i, 0)),
          pl.BlockSpec((_NC, _R, _DW), lambda i: (0, i, 0)),
          pl.BlockSpec((_D, _H), lambda i: (0, 0)),
          pl.BlockSpec((_D, _H), lambda i: (0, 0)),
          pl.BlockSpec((_H,), lambda i: (0,)),
          pl.BlockSpec((_H, _C), lambda i: (0, 0)),
          pl.BlockSpec((_H, _C), lambda i: (0, 0)),
          pl.BlockSpec((_C,), lambda i: (0,)),
      ],
      out_specs=[
          pl.BlockSpec((_R, _W1), lambda i: (i, 0)),
          pl.BlockSpec((_R, _C + 8), lambda i: (i, 0)),
      ],
      out_shape=[
          jax.ShapeDtypeStruct((_NACC, _W1), jnp.bfloat16),
          jax.ShapeDtypeStruct((_N, _C + 8), jnp.bfloat16),
      ],
  )(xb, p0, deg, W_self0, W_neigh0, b0, W_self1, W_neigh1, b1)

  p1 = _sc("seg1")(t1, src_r, dst_r)

  out = pl.pallas_call(
      _layerC_body,
      grid=(nb,),
      in_specs=[
          pl.BlockSpec((_NC, _R, _W1), lambda i: (0, i, 0)),
          pl.BlockSpec((_R, _C + 8), lambda i: (i, 0)),
      ],
      out_specs=pl.BlockSpec((_R, _C), lambda i: (i, 0)),
      out_shape=jax.ShapeDtypeStruct((_N, _C), jnp.float32),
  )(p1, hse)

  return out

# --- scband reference (transcript-rebuilt; emitter-appended) ---
"""Pipeline reference for scband-graph-sage-19920058319553 (READ-ONLY COPY).

The authoritative reference and input builder live on the scoring server;
editing this copy changes nothing except your own understanding.
"""

import jax, jax.numpy as jnp
import numpy as np

N = 10000
E = 320000
D = 128
H = 128
C = 40


def setup_inputs(seed: int = 0) -> dict:
    key = jax.random.key(seed)
    ks = jax.random.split(key, 9)
    x = jax.random.normal(ks[0], (N, D), dtype=jnp.float32)
    edge_index = jax.random.randint(ks[1], (2, E), 0, N, dtype=jnp.int32)
    W_self0 = jax.random.normal(ks[2], (D, H), dtype=jnp.float32) / np.sqrt(D)
    W_neigh0 = jax.random.normal(ks[3], (D, H), dtype=jnp.float32) / np.sqrt(D)
    b0 = jnp.zeros((H,), dtype=jnp.float32)
    W_self1 = jax.random.normal(ks[4], (H, C), dtype=jnp.float32) / np.sqrt(H)
    W_neigh1 = jax.random.normal(ks[5], (H, C), dtype=jnp.float32) / np.sqrt(H)
    b1 = jnp.zeros((C,), dtype=jnp.float32)
    return {"features": x, "edge_index": edge_index,
            "W_self0": W_self0, "W_neigh0": W_neigh0, "b0": b0,
            "W_self1": W_self1, "W_neigh1": W_neigh1, "b1": b1}


def _sage_conv(h, src, dst, W_self, W_neigh, b):
    # DGL SAGEConv with 'mean' aggregator (eval mode, feat_drop is identity):
    # h_neigh = mean over in-neighbors; out = h @ W_self + h_neigh @ W_neigh + b
    m = jnp.take(h, src, axis=0)
    agg = jax.ops.segment_sum(m, dst, num_segments=N)
    deg = jax.ops.segment_sum(jnp.ones((src.shape[0],), dtype=h.dtype), dst, num_segments=N)
    h_neigh = agg / jnp.clip(deg, 1.0, None)[:, None]
    return h @ W_self + h_neigh @ W_neigh + b


def reference(features, edge_index, W_self0, W_neigh0, b0, W_self1, W_neigh1, b1):
    src = edge_index[0]
    dst = edge_index[1]
    # layer 0: in_feats -> n_hidden, relu activation
    h = jax.nn.relu(_sage_conv(features, src, dst, W_self0, W_neigh0, b0))
    # final layer: n_hidden -> n_classes, no activation
    out = _sage_conv(h, src, dst, W_self1, W_neigh1, b1)
    return out

if __name__ == "__main__":
    import jax
    _d = setup_inputs()
    print(jax.jit(kernel)(*tuple(_d.values())))

</pallas_src>

<mosaic_0001>
#map = affine_map<(d0, d1) -> (0, 0)>
#map1 = affine_map<(d0, d1) -> (0, 0, 0, 0)>
#map2 = affine_map<(d0, d1) -> (0, 0, 0)>
module attributes {stable_mosaic.version = 14 : i64} {
  func.func @seg(%arg0: i32, %arg1: i32, %arg2: memref<10016x48xbf16, #tpu.memory_space<hbm>>, %arg3: memref<2x16x80x128xi32, #tpu.memory_space<hbm>>, %arg4: memref<2x16x80x128xi32, #tpu.memory_space<hbm>>, %arg5: memref<2x10016x48xbf16, #tpu.memory_space<hbm>>, %arg6: memref<80x128xi32, #tpu.memory_space<vmem>>, %arg7: memref<80x128xi32, #tpu.memory_space<vmem>>, %arg8: memref<128x48xbf16, #tpu.memory_space<vmem>>, %arg9: memref<128x48xbf16, #tpu.memory_space<vmem>>, %arg10: memref<10016x48xbf16, #tpu.memory_space<vmem_shared>>, %arg11: memref<10016x48xbf16, #tpu.memory_space<vmem_shared>>, %arg12: memref<!tpu.dma_semaphore, #tpu.memory_space<semaphore_mem>>, %arg13: memref<!tpu.dma_semaphore, #tpu.memory_space<semaphore_mem>>) attributes {dimension_semantics = [#tpu.dimension_semantics<core_parallel>, #tpu.dimension_semantics<subcore_parallel>], iteration_bounds = array<i64: 2, 16>, scalar_prefetch = 0 : i64, scratch_operands = 8 : i64, tpu.core_type = #tpu.core_type<sc_vector_subcore>, window_params = [{transform_indices = #map}, {transform_indices = #map1}, {transform_indices = #map1}, {transform_indices = #map2}]} {
    "tpu.region"() ({
      %run_scoped3A = tpu.sem_alloc : memref<!tpu.dma_semaphore, #tpu.memory_space<semaphore_mem>>
      %dma_start3A_37 = arith.constant 0 : i32
      %dma_start3A_38 = arith.constant 0 : i32
      %dma_start3A_39 = tpu.memref_slice %arg3[%arg0, %arg1, %dma_start3A_37, %dma_start3A_38] : memref<2x16x80x128xi32, #tpu.memory_space<hbm>> -> memref<1x1x80x128xi32, #tpu.memory_space<hbm>>
      %dma_start3A_40 = tpu.memref_squeeze %dma_start3A_39 : memref<1x1x80x128xi32, #tpu.memory_space<hbm>> -> memref<80x128xi32, #tpu.memory_space<hbm>>
      %dma_start3A_41 = arith.constant 0 : i32
      %dma_start3A_42 = arith.constant 0 : i32
      %dma_start3A_43 = tpu.memref_slice %arg3[%arg0, %arg1, %dma_start3A_41, %dma_start3A_42] : memref<2x16x80x128xi32, #tpu.memory_space<hbm>> -> memref<1x1x80x128xi32, #tpu.memory_space<hbm>>
      %dma_start3A_44 = tpu.memref_squeeze %dma_start3A_43 : memref<1x1x80x128xi32, #tpu.memory_space<hbm>> -> memref<80x128xi32, #tpu.memory_space<hbm>>
      tpu.enqueue_dma source(%dma_start3A_44 : memref<80x128xi32, #tpu.memory_space<hbm>>) target(%arg6 : memref<80x128xi32, #tpu.memory_space<vmem>>) target_semaphore(%run_scoped3A : memref<!tpu.dma_semaphore, #tpu.memory_space<semaphore_mem>>)
      %dma_wait3A = arith.constant 0 : i32
      %dma_wait3A_45 = arith.constant 0 : i32
      %dma_wait3A_46 = tpu.memref_slice %arg3[%arg0, %arg1, %dma_wait3A, %dma_wait3A_45] : memref<2x16x80x128xi32, #tpu.memory_space<hbm>> -> memref<1x1x80x128xi32, #tpu.memory_space<hbm>>
      %dma_wait3A_47 = tpu.memref_squeeze %dma_wait3A_46 : memref<1x1x80x128xi32, #tpu.memory_space<hbm>> -> memref<80x128xi32, #tpu.memory_space<hbm>>
      %dma_wait3A_48 = arith.constant 0 : i32
      %dma_wait3A_49 = arith.constant 0 : i32
      %dma_wait3A_50 = tpu.memref_slice %arg3[%arg0, %arg1, %dma_wait3A_48, %dma_wait3A_49] : memref<2x16x80x128xi32, #tpu.memory_space<hbm>> -> memref<1x1x80x128xi32, #tpu.memory_space<hbm>>
      %dma_wait3A_51 = tpu.memref_squeeze %dma_wait3A_50 : memref<1x1x80x128xi32, #tpu.memory_space<hbm>> -> memref<80x128xi32, #tpu.memory_space<hbm>>
      tpu.wait_dma2 semaphore(%run_scoped3A : memref<!tpu.dma_semaphore, #tpu.memory_space<semaphore_mem>>) src(%dma_wait3A_51 : memref<80x128xi32, #tpu.memory_space<hbm>>) dst(%arg6 : memref<80x128xi32, #tpu.memory_space<vmem>>)
      tpu.yield
    }) : () -> ()
    "tpu.region"() ({
      %run_scoped3A = tpu.sem_alloc : memref<!tpu.dma_semaphore, #tpu.memory_space<semaphore_mem>>
      %dma_start3A_37 = arith.constant 0 : i32
      %dma_start3A_38 = arith.constant 0 : i32
      %dma_start3A_39 = tpu.memref_slice %arg4[%arg0, %arg1, %dma_start3A_37, %dma_start3A_38] : memref<2x16x80x128xi32, #tpu.memory_space<hbm>> -> memref<1x1x80x128xi32, #tpu.memory_space<hbm>>
      %dma_start3A_40 = tpu.memref_squeeze %dma_start3A_39 : memref<1x1x80x128xi32, #tpu.memory_space<hbm>> -> memref<80x128xi32, #tpu.memory_space<hbm>>
      %dma_start3A_41 = arith.constant 0 : i32
      %dma_start3A_42 = arith.constant 0 : i32
      %dma_start3A_43 = tpu.memref_slice %arg4[%arg0, %arg1, %dma_start3A_41, %dma_start3A_42] : memref<2x16x80x128xi32, #tpu.memory_space<hbm>> -> memref<1x1x80x128xi32, #tpu.memory_space<hbm>>
      %dma_start3A_44 = tpu.memref_squeeze %dma_start3A_43 : memref<1x1x80x128xi32, #tpu.memory_space<hbm>> -> memref<80x128xi32, #tpu.memory_space<hbm>>
      tpu.enqueue_dma source(%dma_start3A_44 : memref<80x128xi32, #tpu.memory_space<hbm>>) target(%arg7 : memref<80x128xi32, #tpu.memory_space<vmem>>) target_semaphore(%run_scoped3A : memref<!tpu.dma_semaphore, #tpu.memory_space<semaphore_mem>>)
      %dma_wait3A = arith.constant 0 : i32
      %dma_wait3A_45 = arith.constant 0 : i32
      %dma_wait3A_46 = tpu.memref_slice %arg4[%arg0, %arg1, %dma_wait3A, %dma_wait3A_45] : memref<2x16x80x128xi32, #tpu.memory_space<hbm>> -> memref<1x1x80x128xi32, #tpu.memory_space<hbm>>
      %dma_wait3A_47 = tpu.memref_squeeze %dma_wait3A_46 : memref<1x1x80x128xi32, #tpu.memory_space<hbm>> -> memref<80x128xi32, #tpu.memory_space<hbm>>
      %dma_wait3A_48 = arith.constant 0 : i32
      %dma_wait3A_49 = arith.constant 0 : i32
      %dma_wait3A_50 = tpu.memref_slice %arg4[%arg0, %arg1, %dma_wait3A_48, %dma_wait3A_49] : memref<2x16x80x128xi32, #tpu.memory_space<hbm>> -> memref<1x1x80x128xi32, #tpu.memory_space<hbm>>
      %dma_wait3A_51 = tpu.memref_squeeze %dma_wait3A_50 : memref<1x1x80x128xi32, #tpu.memory_space<hbm>> -> memref<80x128xi32, #tpu.memory_space<hbm>>
      tpu.wait_dma2 semaphore(%run_scoped3A : memref<!tpu.dma_semaphore, #tpu.memory_space<semaphore_mem>>) src(%dma_wait3A_51 : memref<80x128xi32, #tpu.memory_space<hbm>>) dst(%arg7 : memref<80x128xi32, #tpu.memory_space<vmem>>)
      tpu.yield
    }) : () -> ()
    %mul3A = arith.constant 626 : i32
    %mul3A_0 = arith.muli %arg1, %mul3A : i32
    %mul3A_1 = arith.constant 626 : i32
    %mul3A_2 = arith.muli %arg1, %mul3A_1 : i32
    "tpu.region"() ({
      %run_scoped3A = tpu.sem_alloc : memref<!tpu.dma_semaphore, #tpu.memory_space<semaphore_mem>>
      %dma_start3A_37 = arith.constant 0 : i32
      %dma_start3A_38 = tpu.memref_slice %arg10[%mul3A_2, %dma_start3A_37] : memref<10016x48xbf16, #tpu.memory_space<vmem_shared>> -> memref<626x48xbf16, #tpu.memory_space<vmem_shared>>
      %dma_start3A_39 = arith.constant 0 : i32
      %dma_start3A_40 = tpu.memref_slice %arg2[%mul3A_0, %dma_start3A_39] : memref<10016x48xbf16, #tpu.memory_space<hbm>> -> memref<626x48xbf16, #tpu.memory_space<hbm>>
      tpu.enqueue_dma source(%dma_start3A_40 : memref<626x48xbf16, #tpu.memory_space<hbm>>) target(%dma_start3A_38 : memref<626x48xbf16, #tpu.memory_space<vmem_shared>>) target_semaphore(%run_scoped3A : memref<!tpu.dma_semaphore, #tpu.memory_space<semaphore_mem>>)
      %dma_wait3A = arith.constant 0 : i32
      %dma_wait3A_41 = tpu.memref_slice %arg10[%mul3A_2, %dma_wait3A] : memref<10016x48xbf16, #tpu.memory_space<vmem_shared>> -> memref<626x48xbf16, #tpu.memory_space<vmem_shared>>
      %dma_wait3A_42 = arith.constant 0 : i32
      %dma_wait3A_43 = tpu.memref_slice %arg2[%mul3A_0, %dma_wait3A_42] : memref<10016x48xbf16, #tpu.memory_space<hbm>> -> memref<626x48xbf16, #tpu.memory_space<hbm>>
      tpu.wait_dma2 semaphore(%run_scoped3A : memref<!tpu.dma_semaphore, #tpu.memory_space<semaphore_mem>>) src(%dma_wait3A_43 : memref<626x48xbf16, #tpu.memory_space<hbm>>) dst(%dma_wait3A_41 : memref<626x48xbf16, #tpu.memory_space<vmem_shared>>)
      tpu.yield
    }) : () -> ()
    %broadcast_in_dim3A = arith.constant 0.000000e+00 : bf16
    %broadcast_in_dim3A_3 = vector.broadcast %broadcast_in_dim3A : bf16 to vector<32xbf16>
    %scan3A = arith.constant 0 : i32
    %scan3A_4 = arith.constant 0 : i32
    %scan3A_5 = arith.constant 128 : i32
    %scan3A_6 = arith.addi %scan3A_4, %scan3A_5 : i32
    %scan3A_7 = arith.constant 1 : i32
    scf.for %scan3A_37 = %scan3A_4 to %scan3A_6 step %scan3A_7  : i32 {
      %swap3A = arith.index_cast %scan3A_37 : i32 to index
      %swap3A_38 = arith.constant 0 : index
      %swap3A_39 = tpu.vector_load %arg8[%swap3A, %swap3A_38] {strides = array<i32>} : memref<128x48xbf16, #tpu.memory_space<vmem>>, vector<1x32xbf16>,
      %swap3A_40 = vector.shape_cast %swap3A_39 : vector<1x32xbf16> to vector<32xbf16>
      %swap3A_41 = vector.shape_cast %broadcast_in_dim3A_3 : vector<32xbf16> to vector<1x32xbf16>
      tpu.vector_store %arg8[%swap3A, %swap3A_38], %swap3A_41 {strides = array<i32>} : memref<128x48xbf16, #tpu.memory_space<vmem>>, vector<1x32xbf16>,
      %swap3A_42 = arith.index_cast %scan3A_37 : i32 to index
      %swap3A_43 = arith.constant 16 : index
      %swap3A_44 = tpu.vector_load %arg8[%swap3A_42, %swap3A_43] {strides = array<i32>} : memref<128x48xbf16, #tpu.memory_space<vmem>>, vector<1x32xbf16>,
      %swap3A_45 = vector.shape_cast %swap3A_44 : vector<1x32xbf16> to vector<32xbf16>
      %swap3A_46 = vector.shape_cast %broadcast_in_dim3A_3 : vector<32xbf16> to vector<1x32xbf16>
      tpu.vector_store %arg8[%swap3A_42, %swap3A_43], %swap3A_46 {strides = array<i32>} : memref<128x48xbf16, #tpu.memory_space<vmem>>, vector<1x32xbf16>,
    }
    %scan3A_8 = arith.constant 128 : i32
    %mul3A_9 = arith.constant 626 : i32
    %mul3A_10 = arith.muli %arg1, %mul3A_9 : i32
    %add3A = arith.constant 0 : i32
    %add3A_11 = arith.addi %mul3A_10, %add3A : i32
    "tpu.region"() ({
      %run_scoped3A = tpu.sem_alloc : memref<!tpu.dma_semaphore, #tpu.memory_space<semaphore_mem>>
      %dma_start3A_37 = arith.constant 0 : i32
      %dma_start3A_38 = tpu.memref_slice %arg11[%add3A_11, %dma_start3A_37] : memref<10016x48xbf16, #tpu.memory_space<vmem_shared>> -> memref<128x48xbf16, #tpu.memory_space<vmem_shared>>
      %dma_start3A_39 = arith.constant 0 : i32
      %dma_start3A_40 = tpu.memref_slice %arg11[%add3A_11, %dma_start3A_39] : memref<10016x48xbf16, #tpu.memory_space<vmem_shared>> -> memref<128x48xbf16, #tpu.memory_space<vmem_shared>>
      tpu.enqueue_dma source(%arg8 : memref<128x48xbf16, #tpu.memory_space<vmem>>) target(%dma_start3A_40 : memref<128x48xbf16, #tpu.memory_space<vmem_shared>>) target_semaphore(%run_scoped3A : memref<!tpu.dma_semaphore, #tpu.memory_space<semaphore_mem>>)
      %dma_wait3A = arith.constant 0 : i32
      %dma_wait3A_41 = tpu.memref_slice %arg11[%add3A_11, %dma_wait3A] : memref<10016x48xbf16, #tpu.memory_space<vmem_shared>> -> memref<128x48xbf16, #tpu.memory_space<vmem_shared>>
      %dma_wait3A_42 = arith.constant 0 : i32
      %dma_wait3A_43 = tpu.memref_slice %arg11[%add3A_11, %dma_wait3A_42] : memref<10016x48xbf16, #tpu.memory_space<vmem_shared>> -> memref<128x48xbf16, #tpu.memory_space<vmem_shared>>
      tpu.wait_dma2 semaphore(%run_scoped3A : memref<!tpu.dma_semaphore, #tpu.memory_space<semaphore_mem>>) src(%arg8 : memref<128x48xbf16, #tpu.memory_space<vmem>>) dst(%dma_wait3A_43 : memref<128x48xbf16, #tpu.memory_space<vmem_shared>>)
      tpu.yield
    }) : () -> ()
    %add3A_12 = arith.constant 128 : i32
    %add3A_13 = arith.addi %mul3A_10, %add3A_12 : i32
    "tpu.region"() ({
      %run_scoped3A = tpu.sem_alloc : memref<!tpu.dma_semaphore, #tpu.memory_space<semaphore_mem>>
      %dma_start3A_37 = arith.constant 0 : i32
      %dma_start3A_38 = tpu.memref_slice %arg11[%add3A_13, %dma_start3A_37] : memref<10016x48xbf16, #tpu.memory_space<vmem_shared>> -> memref<128x48xbf16, #tpu.memory_space<vmem_shared>>
      %dma_start3A_39 = arith.constant 0 : i32
      %dma_start3A_40 = tpu.memref_slice %arg11[%add3A_13, %dma_start3A_39] : memref<10016x48xbf16, #tpu.memory_space<vmem_shared>> -> memref<128x48xbf16, #tpu.memory_space<vmem_shared>>
      tpu.enqueue_dma source(%arg8 : memref<128x48xbf16, #tpu.memory_space<vmem>>) target(%dma_start3A_40 : memref<128x48xbf16, #tpu.memory_space<vmem_shared>>) target_semaphore(%run_scoped3A : memref<!tpu.dma_semaphore, #tpu.memory_space<semaphore_mem>>)
      %dma_wait3A = arith.constant 0 : i32
      %dma_wait3A_41 = tpu.memref_slice %arg11[%add3A_13, %dma_wait3A] : memref<10016x48xbf16, #tpu.memory_space<vmem_shared>> -> memref<128x48xbf16, #tpu.memory_space<vmem_shared>>
      %dma_wait3A_42 = arith.constant 0 : i32
      %dma_wait3A_43 = tpu.memref_slice %arg11[%add3A_13, %dma_wait3A_42] : memref<10016x48xbf16, #tpu.memory_space<vmem_shared>> -> memref<128x48xbf16, #tpu.memory_space<vmem_shared>>
      tpu.wait_dma2 semaphore(%run_scoped3A : memref<!tpu.dma_semaphore, #tpu.memory_space<semaphore_mem>>) src(%arg8 : memref<128x48xbf16, #tpu.memory_space<vmem>>) dst(%dma_wait3A_43 : memref<128x48xbf16, #tpu.memory_space<vmem_shared>>)
      tpu.yield
    }) : () -> ()
    %add3A_14 = arith.constant 256 : i32
    %add3A_15 = arith.addi %mul3A_10, %add3A_14 : i32
    "tpu.region"() ({
      %run_scoped3A = tpu.sem_alloc : memref<!tpu.dma_semaphore, #tpu.memory_space<semaphore_mem>>
      %dma_start3A_37 = arith.constant 0 : i32
      %dma_start3A_38 = tpu.memref_slice %arg11[%add3A_15, %dma_start3A_37] : memref<10016x48xbf16, #tpu.memory_space<vmem_shared>> -> memref<128x48xbf16, #tpu.memory_space<vmem_shared>>
      %dma_start3A_39 = arith.constant 0 : i32
      %dma_start3A_40 = tpu.memref_slice %arg11[%add3A_15, %dma_start3A_39] : memref<10016x48xbf16, #tpu.memory_space<vmem_shared>> -> memref<128x48xbf16, #tpu.memory_space<vmem_shared>>
      tpu.enqueue_dma source(%arg8 : memref<128x48xbf16, #tpu.memory_space<vmem>>) target(%dma_start3A_40 : memref<128x48xbf16, #tpu.memory_space<vmem_shared>>) target_semaphore(%run_scoped3A : memref<!tpu.dma_semaphore, #tpu.memory_space<semaphore_mem>>)
      %dma_wait3A = arith.constant 0 : i32
      %dma_wait3A_41 = tpu.memref_slice %arg11[%add3A_15, %dma_wait3A] : memref<10016x48xbf16, #tpu.memory_space<vmem_shared>> -> memref<128x48xbf16, #tpu.memory_space<vmem_shared>>
      %dma_wait3A_42 = arith.constant 0 : i32
      %dma_wait3A_43 = tpu.memref_slice %arg11[%add3A_15, %dma_wait3A_42] : memref<10016x48xbf16, #tpu.memory_space<vmem_shared>> -> memref<128x48xbf16, #tpu.memory_space<vmem_shared>>
      tpu.wait_dma2 semaphore(%run_scoped3A : memref<!tpu.dma_semaphore, #tpu.memory_space<semaphore_mem>>) src(%arg8 : memref<128x48xbf16, #tpu.memory_space<vmem>>) dst(%dma_wait3A_43 : memref<128x48xbf16, #tpu.memory_space<vmem_shared>>)
      tpu.yield
    }) : () -> ()
    %add3A_16 = arith.constant 384 : i32
    %add3A_17 = arith.addi %mul3A_10, %add3A_16 : i32
    "tpu.region"() ({
      %run_scoped3A = tpu.sem_alloc : memref<!tpu.dma_semaphore, #tpu.memory_space<semaphore_mem>>
      %dma_start3A_37 = arith.constant 0 : i32
      %dma_start3A_38 = tpu.memref_slice %arg11[%add3A_17, %dma_start3A_37] : memref<10016x48xbf16, #tpu.memory_space<vmem_shared>> -> memref<128x48xbf16, #tpu.memory_space<vmem_shared>>
      %dma_start3A_39 = arith.constant 0 : i32
      %dma_start3A_40 = tpu.memref_slice %arg11[%add3A_17, %dma_start3A_39] : memref<10016x48xbf16, #tpu.memory_space<vmem_shared>> -> memref<128x48xbf16, #tpu.memory_space<vmem_shared>>
      tpu.enqueue_dma source(%arg8 : memref<128x48xbf16, #tpu.memory_space<vmem>>) target(%dma_start3A_40 : memref<128x48xbf16, #tpu.memory_space<vmem_shared>>) target_semaphore(%run_scoped3A : memref<!tpu.dma_semaphore, #tpu.memory_space<semaphore_mem>>)
      %dma_wait3A = arith.constant 0 : i32
      %dma_wait3A_41 = tpu.memref_slice %arg11[%add3A_17, %dma_wait3A] : memref<10016x48xbf16, #tpu.memory_space<vmem_shared>> -> memref<128x48xbf16, #tpu.memory_space<vmem_shared>>
      %dma_wait3A_42 = arith.constant 0 : i32
      %dma_wait3A_43 = tpu.memref_slice %arg11[%add3A_17, %dma_wait3A_42] : memref<10016x48xbf16, #tpu.memory_space<vmem_shared>> -> memref<128x48xbf16, #tpu.memory_space<vmem_shared>>
      tpu.wait_dma2 semaphore(%run_scoped3A : memref<!tpu.dma_semaphore, #tpu.memory_space<semaphore_mem>>) src(%arg8 : memref<128x48xbf16, #tpu.memory_space<vmem>>) dst(%dma_wait3A_43 : memref<128x48xbf16, #tpu.memory_space<vmem_shared>>)
      tpu.yield
    }) : () -> ()
    %add3A_18 = arith.constant 512 : i32
    %add3A_19 = arith.addi %mul3A_10, %add3A_18 : i32
    "tpu.region"() ({
      %run_scoped3A = tpu.sem_alloc : memref<!tpu.dma_semaphore, #tpu.memory_space<semaphore_mem>>
      %dma_start3A_37 = arith.constant 0 : i32
      %dma_start3A_38 = arith.constant 0 : i32
      %dma_start3A_39 = tpu.memref_slice %arg8[%dma_start3A_37, %dma_start3A_38] : memref<128x48xbf16, #tpu.memory_space<vmem>> -> memref<114x48xbf16, #tpu.memory_space<vmem>>
      %dma_start3A_40 = arith.constant 0 : i32
      %dma_start3A_41 = tpu.memref_slice %arg11[%add3A_19, %dma_start3A_40] : memref<10016x48xbf16, #tpu.memory_space<vmem_shared>> -> memref<114x48xbf16, #tpu.memory_space<vmem_shared>>
      %dma_start3A_42 = arith.constant 0 : i32
      %dma_start3A_43 = tpu.memref_slice %arg11[%add3A_19, %dma_start3A_42] : memref<10016x48xbf16, #tpu.memory_space<vmem_shared>> -> memref<114x48xbf16, #tpu.memory_space<vmem_shared>>
      %dma_start3A_44 = arith.constant 0 : i32
      %dma_start3A_45 = arith.constant 0 : i32
      %dma_start3A_46 = tpu.memref_slice %arg8[%dma_start3A_44, %dma_start3A_45] : memref<128x48xbf16, #tpu.memory_space<vmem>> -> memref<114x48xbf16, #tpu.memory_space<vmem>>
      tpu.enqueue_dma source(%dma_start3A_46 : memref<114x48xbf16, #tpu.memory_space<vmem>>) target(%dma_start3A_43 : memref<114x48xbf16, #tpu.memory_space<vmem_shared>>) target_semaphore(%run_scoped3A : memref<!tpu.dma_semaphore, #tpu.memory_space<semaphore_mem>>)
      %dma_wait3A = arith.constant 0 : i32
      %dma_wait3A_47 = arith.constant 0 : i32
      %dma_wait3A_48 = tpu.memref_slice %arg8[%dma_wait3A, %dma_wait3A_47] : memref<128x48xbf16, #tpu.memory_space<vmem>> -> memref<114x48xbf16, #tpu.memory_space<vmem>>
      %dma_wait3A_49 = arith.constant 0 : i32
      %dma_wait3A_50 = tpu.memref_slice %arg11[%add3A_19, %dma_wait3A_49] : memref<10016x48xbf16, #tpu.memory_space<vmem_shared>> -> memref<114x48xbf16, #tpu.memory_space<vmem_shared>>
      %dma_wait3A_51 = arith.constant 0 : i32
      %dma_wait3A_52 = tpu.memref_slice %arg11[%add3A_19, %dma_wait3A_51] : memref<10016x48xbf16, #tpu.memory_space<vmem_shared>> -> memref<114x48xbf16, #tpu.memory_space<vmem_shared>>
      %dma_wait3A_53 = arith.constant 0 : i32
      %dma_wait3A_54 = arith.constant 0 : i32
      %dma_wait3A_55 = tpu.memref_slice %arg8[%dma_wait3A_53, %dma_wait3A_54] : memref<128x48xbf16, #tpu.memory_space<vmem>> -> memref<114x48xbf16, #tpu.memory_space<vmem>>
      tpu.wait_dma2 semaphore(%run_scoped3A : memref<!tpu.dma_semaphore, #tpu.memory_space<semaphore_mem>>) src(%dma_wait3A_55 : memref<114x48xbf16, #tpu.memory_space<vmem>>) dst(%dma_wait3A_52 : memref<114x48xbf16, #tpu.memory_space<vmem_shared>>)
      tpu.yield
    }) : () -> ()
    %barrier3A = arith.constant 0 : index
    tpu.barrier barrier_id(%barrier3A)
    %dma_start3A = arith.constant 0 : i32
    %dma_start3A_20 = arith.constant 0 : i32
    %dma_start3A_21 = tpu.memref_slice %arg6[%dma_start3A, %dma_start3A_20] : memref<80x128xi32, #tpu.memory_space<vmem>> -> memref<1x128xi32, #tpu.memory_space<vmem>>
    %dma_start3A_22 = tpu.memref_squeeze %dma_start3A_21 : memref<1x128xi32, #tpu.memory_space<vmem>> -> memref<128xi32, #tpu.memory_space<vmem>>
    %dma_start3A_23 = arith.constant 0 : i32
    %dma_start3A_24 = arith.constant 0 : i32
    %dma_start3A_25 = tpu.memref_slice %arg10[%dma_start3A_23, %dma_start3A_24] : memref<10016x48xbf16, #tpu.memory_space<vmem_shared>> -> memref<10016x48xbf16, #tpu.memory_space<vmem_shared>>
    tpu.enqueue_indirect_dma source(%dma_start3A_25 : memref<10016x48xbf16, #tpu.memory_space<vmem_shared>>) target(%arg8 : memref<128x48xbf16, #tpu.memory_space<vmem>>) offsets(%dma_start3A_22 : memref<128xi32, #tpu.memory_space<vmem>>) semaphore(%arg12 : memref<!tpu.dma_semaphore, #tpu.memory_space<semaphore_mem>>)
    %scan3A_26 = arith.constant 0 : i32
    %scan3A_27 = arith.constant 0 : i32
    %scan3A_28 = arith.constant 40 : i32
    %scan3A_29 = arith.addi %scan3A_27, %scan3A_28 : i32
    %scan3A_30 = arith.constant 1 : i32
    scf.for %scan3A_37 = %scan3A_27 to %scan3A_29 step %scan3A_30  : i32 {
      %mul3A_38 = arith.constant 2 : i32
      %mul3A_39 = arith.muli %mul3A_38, %scan3A_37 : i32
      %add3A_40 = arith.constant 1 : i32
      %add3A_41 = arith.addi %mul3A_39, %add3A_40 : i32
      %dma_start3A_42 = arith.constant 0 : i32
      %dma_start3A_43 = tpu.memref_slice %arg6[%add3A_41, %dma_start3A_42] : memref<80x128xi32, #tpu.memory_space<vmem>> -> memref<1x128xi32, #tpu.memory_space<vmem>>
      %dma_start3A_44 = tpu.memref_squeeze %dma_start3A_43 : memref<1x128xi32, #tpu.memory_space<vmem>> -> memref<128xi32, #tpu.memory_space<vmem>>
      %dma_start3A_45 = arith.constant 0 : i32
      %dma_start3A_46 = arith.constant 0 : i32
      %dma_start3A_47 = tpu.memref_slice %arg10[%dma_start3A_45, %dma_start3A_46] : memref<10016x48xbf16, #tpu.memory_space<vmem_shared>> -> memref<10016x48xbf16, #tpu.memory_space<vmem_shared>>
      tpu.enqueue_indirect_dma source(%dma_start3A_47 : memref<10016x48xbf16, #tpu.memory_space<vmem_shared>>) target(%arg9 : memref<128x48xbf16, #tpu.memory_space<vmem>>) offsets(%dma_start3A_44 : memref<128xi32, #tpu.memory_space<vmem>>) semaphore(%arg13 : memref<!tpu.dma_semaphore, #tpu.memory_space<semaphore_mem>>)
      %dma_wait3A = arith.constant 0 : i32
      %dma_wait3A_48 = tpu.memref_slice %arg6[%mul3A_39, %dma_wait3A] : memref<80x128xi32, #tpu.memory_space<vmem>> -> memref<1x128xi32, #tpu.memory_space<vmem>>
      %dma_wait3A_49 = tpu.memref_squeeze %dma_wait3A_48 : memref<1x128xi32, #tpu.memory_space<vmem>> -> memref<128xi32, #tpu.memory_space<vmem>>
      %dma_wait3A_50 = arith.constant 0 : i32
      %dma_wait3A_51 = arith.constant 0 : i32
      %dma_wait3A_52 = tpu.memref_slice %arg10[%dma_wait3A_50, %dma_wait3A_51] : memref<10016x48xbf16, #tpu.memory_space<vmem_shared>> -> memref<10016x48xbf16, #tpu.memory_space<vmem_shared>>
      tpu.wait_indirect_dma semaphore(%arg12 : memref<!tpu.dma_semaphore, #tpu.memory_space<semaphore_mem>>) src(%dma_wait3A_52 : memref<10016x48xbf16, #tpu.memory_space<vmem_shared>>) dst(%arg8 : memref<128x48xbf16, #tpu.memory_space<vmem>>)
      "tpu.region"() ({
        %run_scoped3A = tpu.sem_alloc : memref<!tpu.dma_semaphore, #tpu.memory_space<semaphore_mem>>
        %dma_start3A_67 = arith.constant 0 : i32
        %dma_start3A_68 = tpu.memref_slice %arg7[%mul3A_39, %dma_start3A_67] : memref<80x128xi32, #tpu.memory_space<vmem>> -> memref<1x128xi32, #tpu.memory_space<vmem>>
        %dma_start3A_69 = tpu.memref_squeeze %dma_start3A_68 : memref<1x128xi32, #tpu.memory_space<vmem>> -> memref<128xi32, #tpu.memory_space<vmem>>
        %dma_start3A_70 = arith.constant 0 : i32
        %dma_start3A_71 = arith.constant 0 : i32
        %dma_start3A_72 = tpu.memref_slice %arg11[%dma_start3A_70, %dma_start3A_71] : memref<10016x48xbf16, #tpu.memory_space<vmem_shared>> -> memref<10016x48xbf16, #tpu.memory_space<vmem_shared>>
        tpu.enqueue_indirect_dma source(%arg8 : memref<128x48xbf16, #tpu.memory_space<vmem>>) target(%dma_start3A_72 : memref<10016x48xbf16, #tpu.memory_space<vmem_shared>>) offsets(%dma_start3A_69 : memref<128xi32, #tpu.memory_space<vmem>>) semaphore(%run_scoped3A : memref<!tpu.dma_semaphore, #tpu.memory_space<semaphore_mem>>) {add = true}
        %dma_wait3A_73 = arith.constant 0 : i32
        %dma_wait3A_74 = tpu.memref_slice %arg7[%mul3A_39, %dma_wait3A_73] : memref<80x128xi32, #tpu.memory_space<vmem>> -> memref<1x128xi32, #tpu.memory_space<vmem>>
        %dma_wait3A_75 = tpu.memref_squeeze %dma_wait3A_74 : memref<1x128xi32, #tpu.memory_space<vmem>> -> memref<128xi32, #tpu.memory_space<vmem>>
        %dma_wait3A_76 = arith.constant 0 : i32
        %dma_wait3A_77 = arith.constant 0 : i32
        %dma_wait3A_78 = tpu.memref_slice %arg11[%dma_wait3A_76, %dma_wait3A_77] : memref<10016x48xbf16, #tpu.memory_space<vmem_shared>> -> memref<10016x48xbf16, #tpu.memory_space<vmem_shared>>
        tpu.wait_indirect_dma semaphore(%run_scoped3A : memref<!tpu.dma_semaphore, #tpu.memory_space<semaphore_mem>>) src(%arg8 : memref<128x48xbf16, #tpu.memory_space<vmem>>) dst(%dma_wait3A_78 : memref<10016x48xbf16, #tpu.memory_space<vmem_shared>>)
        tpu.yield
      }) : () -> ()
      %add3A_53 = arith.constant 2 : i32
      %add3A_54 = arith.addi %mul3A_39, %add3A_53 : i32
      %lt3A = arith.constant 80 : i32
      %lt3A_55 = arith.cmpi slt, %add3A_54, %lt3A : i32
      %convert_element_type3A = arith.extui %lt3A_55 : i1 to i32
      %cond3A = arith.constant 0 : i32
      %cond3A_56 = arith.cmpi ne, %convert_element_type3A, %cond3A : i32
      scf.if %cond3A_56 {
        %add3A_67 = arith.constant 2 : i32
        %add3A_68 = arith.addi %mul3A_39, %add3A_67 : i32
        %dma_start3A_69 = arith.constant 0 : i32
        %dma_start3A_70 = tpu.memref_slice %arg6[%add3A_68, %dma_start3A_69] : memref<80x128xi32, #tpu.memory_space<vmem>> -> memref<1x128xi32, #tpu.memory_space<vmem>>
        %dma_start3A_71 = tpu.memref_squeeze %dma_start3A_70 : memref<1x128xi32, #tpu.memory_space<vmem>> -> memref<128xi32, #tpu.memory_space<vmem>>
        %dma_start3A_72 = arith.constant 0 : i32
        %dma_start3A_73 = arith.constant 0 : i32
        %dma_start3A_74 = tpu.memref_slice %arg10[%dma_start3A_72, %dma_start3A_73] : memref<10016x48xbf16, #tpu.memory_space<vmem_shared>> -> memref<10016x48xbf16, #tpu.memory_space<vmem_shared>>
        tpu.enqueue_indirect_dma source(%dma_start3A_74 : memref<10016x48xbf16, #tpu.memory_space<vmem_shared>>) target(%arg8 : memref<128x48xbf16, #tpu.memory_space<vmem>>) offsets(%dma_start3A_71 : memref<128xi32, #tpu.memory_space<vmem>>) semaphore(%arg12 : memref<!tpu.dma_semaphore, #tpu.memory_space<semaphore_mem>>)
      } else {
      }
      %add3A_57 = arith.constant 1 : i32
      %add3A_58 = arith.addi %mul3A_39, %add3A_57 : i32
      %dma_wait3A_59 = arith.constant 0 : i32
      %dma_wait3A_60 = tpu.memref_slice %arg6[%add3A_58, %dma_wait3A_59] : memref<80x128xi32, #tpu.memory_space<vmem>> -> memref<1x128xi32, #tpu.memory_space<vmem>>
      %dma_wait3A_61 = tpu.memref_squeeze %dma_wait3A_60 : memref<1x128xi32, #tpu.memory_space<vmem>> -> memref<128xi32, #tpu.memory_space<vmem>>
      %dma_wait3A_62 = arith.constant 0 : i32
      %dma_wait3A_63 = arith.constant 0 : i32
      %dma_wait3A_64 = tpu.memref_slice %arg10[%dma_wait3A_62, %dma_wait3A_63] : memref<10016x48xbf16, #tpu.memory_space<vmem_shared>> -> memref<10016x48xbf16, #tpu.memory_space<vmem_shared>>
      tpu.wait_indirect_dma semaphore(%arg13 : memref<!tpu.dma_semaphore, #tpu.memory_space<semaphore_mem>>) src(%dma_wait3A_64 : memref<10016x48xbf16, #tpu.memory_space<vmem_shared>>) dst(%arg9 : memref<128x48xbf16, #tpu.memory_space<vmem>>)
      %add3A_65 = arith.constant 1 : i32
      %add3A_66 = arith.addi %mul3A_39, %add3A_65 : i32
      "tpu.region"() ({
        %run_scoped3A = tpu.sem_alloc : memref<!tpu.dma_semaphore, #tpu.memory_space<semaphore_mem>>
        %dma_start3A_67 = arith.constant 0 : i32
        %dma_start3A_68 = tpu.memref_slice %arg7[%add3A_66, %dma_start3A_67] : memref<80x128xi32, #tpu.memory_space<vmem>> -> memref<1x128xi32, #tpu.memory_space<vmem>>
        %dma_start3A_69 = tpu.memref_squeeze %dma_start3A_68 : memref<1x128xi32, #tpu.memory_space<vmem>> -> memref<128xi32, #tpu.memory_space<vmem>>
        %dma_start3A_70 = arith.constant 0 : i32
        %dma_start3A_71 = arith.constant 0 : i32
        %dma_start3A_72 = tpu.memref_slice %arg11[%dma_start3A_70, %dma_start3A_71] : memref<10016x48xbf16, #tpu.memory_space<vmem_shared>> -> memref<10016x48xbf16, #tpu.memory_space<vmem_shared>>
        tpu.enqueue_indirect_dma source(%arg9 : memref<128x48xbf16, #tpu.memory_space<vmem>>) target(%dma_start3A_72 : memref<10016x48xbf16, #tpu.memory_space<vmem_shared>>) offsets(%dma_start3A_69 : memref<128xi32, #tpu.memory_space<vmem>>) semaphore(%run_scoped3A : memref<!tpu.dma_semaphore, #tpu.memory_space<semaphore_mem>>) {add = true}
        %dma_wait3A_73 = arith.constant 0 : i32
        %dma_wait3A_74 = tpu.memref_slice %arg7[%add3A_66, %dma_wait3A_73] : memref<80x128xi32, #tpu.memory_space<vmem>> -> memref<1x128xi32, #tpu.memory_space<vmem>>
        %dma_wait3A_75 = tpu.memref_squeeze %dma_wait3A_74 : memref<1x128xi32, #tpu.memory_space<vmem>> -> memref<128xi32, #tpu.memory_space<vmem>>
        %dma_wait3A_76 = arith.constant 0 : i32
        %dma_wait3A_77 = arith.constant 0 : i32
        %dma_wait3A_78 = tpu.memref_slice %arg11[%dma_wait3A_76, %dma_wait3A_77] : memref<10016x48xbf16, #tpu.memory_space<vmem_shared>> -> memref<10016x48xbf16, #tpu.memory_space<vmem_shared>>
        tpu.wait_indirect_dma semaphore(%run_scoped3A : memref<!tpu.dma_semaphore, #tpu.memory_space<semaphore_mem>>) src(%arg9 : memref<128x48xbf16, #tpu.memory_space<vmem>>) dst(%dma_wait3A_78 : memref<10016x48xbf16, #tpu.memory_space<vmem_shared>>)
        tpu.yield
      }) : () -> ()
    }
    %scan3A_31 = arith.constant 40 : i32
    %barrier3A_32 = arith.constant 0 : index
    tpu.barrier barrier_id(%barrier3A_32)
    %mul3A_33 = arith.constant 626 : i32
    %mul3A_34 = arith.muli %arg1, %mul3A_33 : i32
    %mul3A_35 = arith.constant 626 : i32
    %mul3A_36 = arith.muli %arg1, %mul3A_35 : i32
    "tpu.region"() ({
      %run_scoped3A = tpu.sem_alloc : memref<!tpu.dma_semaphore, #tpu.memory_space<semaphore_mem>>
      %dma_start3A_37 = arith.constant 0 : i32
      %dma_start3A_38 = tpu.memref_slice %arg5[%arg0, %mul3A_36, %dma_start3A_37] : memref<2x10016x48xbf16, #tpu.memory_space<hbm>> -> memref<1x626x48xbf16, #tpu.memory_space<hbm>>
      %dma_start3A_39 = tpu.memref_squeeze %dma_start3A_38 : memref<1x626x48xbf16, #tpu.memory_space<hbm>> -> memref<626x48xbf16, #tpu.memory_space<hbm>>
      %dma_start3A_40 = arith.constant 0 : i32
      %dma_start3A_41 = tpu.memref_slice %arg11[%mul3A_34, %dma_start3A_40] : memref<10016x48xbf16, #tpu.memory_space<vmem_shared>> -> memref<626x48xbf16, #tpu.memory_space<vmem_shared>>
      tpu.enqueue_dma source(%dma_start3A_41 : memref<626x48xbf16, #tpu.memory_space<vmem_shared>>) target(%dma_start3A_39 : memref<626x48xbf16, #tpu.memory_space<hbm>>) target_semaphore(%run_scoped3A : memref<!tpu.dma_semaphore, #tpu.memory_space<semaphore_mem>>)
      %dma_wait3A = arith.constant 0 : i32
      %dma_wait3A_42 = tpu.memref_slice %arg5[%arg0, %mul3A_36, %dma_wait3A] : memref<2x10016x48xbf16, #tpu.memory_space<hbm>> -> memref<1x626x48xbf16, #tpu.memory_space<hbm>>
      %dma_wait3A_43 = tpu.memref_squeeze %dma_wait3A_42 : memref<1x626x48xbf16, #tpu.memory_space<hbm>> -> memref<626x48xbf16, #tpu.memory_space<hbm>>
      %dma_wait3A_44 = arith.constant 0 : i32
      %dma_wait3A_45 = tpu.memref_slice %arg11[%mul3A_34, %dma_wait3A_44] : memref<10016x48xbf16, #tpu.memory_space<vmem_shared>> -> memref<626x48xbf16, #tpu.memory_space<vmem_shared>>
      tpu.wait_dma2 semaphore(%run_scoped3A : memref<!tpu.dma_semaphore, #tpu.memory_space<semaphore_mem>>) src(%dma_wait3A_45 : memref<626x48xbf16, #tpu.memory_space<vmem_shared>>) dst(%dma_wait3A_43 : memref<626x48xbf16, #tpu.memory_space<hbm>>)
      tpu.yield
    }) : () -> ()
    return
  }
}

#map = affine_map<(d0, d1) -> (0, 0)>
#map1 = affine_map<(d0, d1) -> (0, 0, 0)>
module attributes {stable_mosaic.version = 14 : i64} {
  func.func @seg(%arg0: i32, %arg1: i32, %arg2: memref<10000x128xbf16, #tpu.memory_space<hbm>>, %arg3: memref<16x160x128xi32, #tpu.memory_space<hbm>>, %arg4: memref<16x160x128xi32, #tpu.memory_space<hbm>>, %arg5: memref<10016x128xbf16, #tpu.memory_space<hbm>>, %arg6: memref<2x10016x16xf32, #tpu.memory_space<hbm>>, %arg7: memref<16x128xi32, #tpu.memory_space<vmem>>, %arg8: memref<16x128xi32, #tpu.memory_space<vmem>>, %arg9: memref<16x128xi32, #tpu.memory_space<vmem>>, %arg10: memref<16x128xi32, #tpu.memory_space<vmem>>, %arg11: memref<128x64xbf16, #tpu.memory_space<vmem>>, %arg12: memref<128x64xbf16, #tpu.memory_space<vmem>>, %arg13: memref<128x16xf32, #tpu.memory_space<vmem>>, %arg14: memref<10016x64xbf16, #tpu.memory_space<vmem_shared>>, %arg15: memref<10016x64xbf16, #tpu.memory_space<vmem_shared>>, %arg16: memref<10016x16xf32, #tpu.memory_space<vmem_shared>>, %arg17: memref<!tpu.dma_semaphore, #tpu.memory_space<semaphore_mem>>, %arg18: memref<!tpu.dma_semaphore, #tpu.memory_space<semaphore_mem>>, %arg19: memref<!tpu.dma_semaphore, #tpu.memory_space<semaphore_mem>>, %arg20: memref<!tpu.dma_semaphore, #tpu.memory_space<semaphore_mem>>) attributes {dimension_semantics = [#tpu.dimension_semantics<core_parallel>, #tpu.dimension_semantics<subcore_parallel>], iteration_bounds = array<i64: 2, 16>, scalar_prefetch = 0 : i64, scratch_operands = 14 : i64, tpu.core_type = #tpu.core_type<sc_vector_subcore>, window_params = [{transform_indices = #map}, {transform_indices = #map1}, {transform_indices = #map1}, {transform_indices = #map}, {transform_indices = #map1}]} {
    %mul3A = arith.constant 64 : i32
    %mul3A_0 = arith.muli %arg0, %mul3A : i32
    %dma_start3A = arith.constant 0 : i32
    %dma_start3A_1 = arith.constant 0 : i32
    %dma_start3A_2 = tpu.memref_slice %arg3[%arg1, %dma_start3A, %dma_start3A_1] : memref<16x160x128xi32, #tpu.memory_space<hbm>> -> memref<1x16x128xi32, #tpu.memory_space<hbm>>
    %dma_start3A_3 = tpu.memref_squeeze %dma_start3A_2 : memref<1x16x128xi32, #tpu.memory_space<hbm>> -> memref<16x128xi32, #tpu.memory_space<hbm>>
    %dma_start3A_4 = arith.constant 0 : i32
    %dma_start3A_5 = arith.constant 0 : i32
    %dma_start3A_6 = tpu.memref_slice %arg3[%arg1, %dma_start3A_4, %dma_start3A_5] : memref<16x160x128xi32, #tpu.memory_space<hbm>> -> memref<1x16x128xi32, #tpu.memory_space<hbm>>
    %dma_start3A_7 = tpu.memref_squeeze %dma_start3A_6 : memref<1x16x128xi32, #tpu.memory_space<hbm>> -> memref<16x128xi32, #tpu.memory_space<hbm>>
    tpu.enqueue_dma source(%dma_start3A_7 : memref<16x128xi32, #tpu.memory_space<hbm>>) target(%arg7 : memref<16x128xi32, #tpu.memory_space<vmem>>) target_semaphore(%arg17 : memref<!tpu.dma_semaphore, #tpu.memory_space<semaphore_mem>>)
    %dma_start3A_8 = arith.constant 0 : i32
    %dma_start3A_9 = arith.constant 0 : i32
    %dma_start3A_10 = tpu.memref_slice %arg4[%arg1, %dma_start3A_8, %dma_start3A_9] : memref<16x160x128xi32, #tpu.memory_space<hbm>> -> memref<1x16x128xi32, #tpu.memory_space<hbm>>
    %dma_start3A_11 = tpu.memref_squeeze %dma_start3A_10 : memref<1x16x128xi32, #tpu.memory_space<hbm>> -> memref<16x128xi32, #tpu.memory_space<hbm>>
    %dma_start3A_12 = arith.constant 0 : i32
    %dma_start3A_13 = arith.constant 0 : i32
    %dma_start3A_14 = tpu.memref_slice %arg4[%arg1, %dma_start3A_12, %dma_start3A_13] : memref<16x160x128xi32, #tpu.memory_space<hbm>> -> memref<1x16x128xi32, #tpu.memory_space<hbm>>
    %dma_start3A_15 = tpu.memref_squeeze %dma_start3A_14 : memref<1x16x128xi32, #tpu.memory_space<hbm>> -> memref<16x128xi32, #tpu.memory_space<hbm>>
    tpu.enqueue_dma source(%dma_start3A_15 : memref<16x128xi32, #tpu.memory_space<hbm>>) target(%arg8 : memref<16x128xi32, #tpu.memory_space<vmem>>) target_semaphore(%arg17 : memref<!tpu.dma_semaphore, #tpu.memory_space<semaphore_mem>>)
    %lt3A = arith.constant 15 : i32
    %lt3A_16 = arith.cmpi slt, %arg1, %lt3A : i32
    %convert_element_type3A = arith.extui %lt3A_16 : i1 to i32
    %cond3A = arith.constant 0 : i32
    %cond3A_17 = arith.cmpi ne, %convert_element_type3A, %cond3A : i32
    scf.if %cond3A_17 {
      %mul3A_76 = arith.constant 626 : i32
      %mul3A_77 = arith.muli %arg1, %mul3A_76 : i32
      %mul3A_78 = arith.constant 626 : i32
      %mul3A_79 = arith.muli %arg1, %mul3A_78 : i32
      "tpu.region"() ({
        %run_scoped3A = tpu.sem_alloc : memref<!tpu.dma_semaphore, #tpu.memory_space<semaphore_mem>>
        %dma_start3A_80 = arith.constant 0 : i32
        %dma_start3A_81 = tpu.memref_slice %arg14[%mul3A_79, %dma_start3A_80] : memref<10016x64xbf16, #tpu.memory_space<vmem_shared>> -> memref<626x64xbf16, #tpu.memory_space<vmem_shared>>
        %dma_start3A_82 = tpu.memref_slice %arg2[%mul3A_77, %mul3A_0] : memref<10000x128xbf16, #tpu.memory_space<hbm>> -> memref<626x64xbf16, #tpu.memory_space<hbm>>
        tpu.enqueue_dma source(%dma_start3A_82 : memref<626x64xbf16, #tpu.memory_space<hbm>>) target(%dma_start3A_81 : memref<626x64xbf16, #tpu.memory_space<vmem_shared>>) target_semaphore(%run_scoped3A : memref<!tpu.dma_semaphore, #tpu.memory_space<semaphore_mem>>)
        %dma_wait3A = arith.constant 0 : i32
        %dma_wait3A_83 = tpu.memref_slice %arg14[%mul3A_79, %dma_wait3A] : memref<10016x64xbf16, #tpu.memory_space<vmem_shared>> -> memref<626x64xbf16, #tpu.memory_space<vmem_shared>>
        %dma_wait3A_84 = tpu.memref_slice %arg2[%mul3A_77, %mul3A_0] : memref<10000x128xbf16, #tpu.memory_space<hbm>> -> memref<626x64xbf16, #tpu.memory_space<hbm>>
        tpu.wait_dma2 semaphore(%run_scoped3A : memref<!tpu.dma_semaphore, #tpu.memory_space<semaphore_mem>>) src(%dma_wait3A_84 : memref<626x64xbf16, #tpu.memory_space<hbm>>) dst(%dma_wait3A_83 : memref<626x64xbf16, #tpu.memory_space<vmem_shared>>)
        tpu.yield
      }) : () -> ()
    } else {
    }
    %eq3A = arith.constant 15 : i32
    %eq3A_18 = arith.cmpi eq, %arg1, %eq3A : i32
    %convert_element_type3A_19 = arith.extui %eq3A_18 : i1 to i32
    %cond3A_20 = arith.constant 0 : i32
    %cond3A_21 = arith.cmpi ne, %convert_element_type3A_19, %cond3A_20 : i32
    scf.if %cond3A_21 {
      "tpu.region"() ({
        %run_scoped3A = tpu.sem_alloc : memref<!tpu.dma_semaphore, #tpu.memory_space<semaphore_mem>>
        %dma_start3A_76 = arith.constant 9390 : i32
        %dma_start3A_77 = arith.constant 0 : i32
        %dma_start3A_78 = tpu.memref_slice %arg14[%dma_start3A_76, %dma_start3A_77] : memref<10016x64xbf16, #tpu.memory_space<vmem_shared>> -> memref<610x64xbf16, #tpu.memory_space<vmem_shared>>
        %dma_start3A_79 = arith.constant 9390 : i32
        %dma_start3A_80 = tpu.memref_slice %arg2[%dma_start3A_79, %mul3A_0] : memref<10000x128xbf16, #tpu.memory_space<hbm>> -> memref<610x64xbf16, #tpu.memory_space<hbm>>
        tpu.enqueue_dma source(%dma_start3A_80 : memref<610x64xbf16, #tpu.memory_space<hbm>>) target(%dma_start3A_78 : memref<610x64xbf16, #tpu.memory_space<vmem_shared>>) target_semaphore(%run_scoped3A : memref<!tpu.dma_semaphore, #tpu.memory_space<semaphore_mem>>)
        %dma_wait3A = arith.constant 9390 : i32
        %dma_wait3A_81 = arith.constant 0 : i32
        %dma_wait3A_82 = tpu.memref_slice %arg14[%dma_wait3A, %dma_wait3A_81] : memref<10016x64xbf16, #tpu.memory_space<vmem_shared>> -> memref<610x64xbf16, #tpu.memory_space<vmem_shared>>
        %dma_wait3A_83 = arith.constant 9390 : i32
        %dma_wait3A_84 = tpu.memref_slice %arg2[%dma_wait3A_83, %mul3A_0] : memref<10000x128xbf16, #tpu.memory_space<hbm>> -> memref<610x64xbf16, #tpu.memory_space<hbm>>
        tpu.wait_dma2 semaphore(%run_scoped3A : memref<!tpu.dma_semaphore, #tpu.memory_space<semaphore_mem>>) src(%dma_wait3A_84 : memref<610x64xbf16, #tpu.memory_space<hbm>>) dst(%dma_wait3A_82 : memref<610x64xbf16, #tpu.memory_space<vmem_shared>>)
        tpu.yield
      }) : () -> ()
    } else {
    }
    %broadcast_in_dim3A = arith.constant 0.000000e+00 : bf16
    %broadcast_in_dim3A_22 = vector.broadcast %broadcast_in_dim3A : bf16 to vector<32xbf16>
    %scan3A = arith.constant 0 : i32
    %scan3A_23 = arith.constant 0 : i32
    %scan3A_24 = arith.constant 256 : i32
    %scan3A_25 = arith.addi %scan3A_23, %scan3A_24 : i32
    %scan3A_26 = arith.constant 1 : i32
    scf.for %scan3A_76 = %scan3A_23 to %scan3A_25 step %scan3A_26  : i32 {
      %jit3A = arith.constant 2 : i32
      %div3A = arith.divsi %scan3A_76, %jit3A : i32
      %sign3A = arith.constant 0 : i32
      %sign3A_77 = arith.cmpi sgt, %scan3A_76, %sign3A : i32
      %sign3A_78 = arith.extui %sign3A_77 : i1 to i32
      %sign3A_79 = arith.constant 0 : i32
      %sign3A_80 = arith.cmpi slt, %scan3A_76, %sign3A_79 : i32
      %sign3A_81 = arith.extui %sign3A_80 : i1 to i32
      %sign3A_82 = arith.subi %sign3A_78, %sign3A_81 : i32
      %sign3A_83 = arith.constant 0 : i32
      %sign3A_84 = arith.cmpi sgt, %jit3A, %sign3A_83 : i32
      %sign3A_85 = arith.extui %sign3A_84 : i1 to i32
      %sign3A_86 = arith.constant 0 : i32
      %sign3A_87 = arith.cmpi slt, %jit3A, %sign3A_86 : i32
      %sign3A_88 = arith.extui %sign3A_87 : i1 to i32
      %sign3A_89 = arith.subi %sign3A_85, %sign3A_88 : i32
      %ne3A = arith.cmpi ne, %sign3A_82, %sign3A_89 : i32
      %rem3A = arith.remsi %scan3A_76, %jit3A : i32
      %ne3A_90 = arith.constant 0 : i32
      %ne3A_91 = arith.cmpi ne, %rem3A, %ne3A_90 : i32
      %and3A = arith.andi %ne3A, %ne3A_91 : i1
      %sub3A = arith.constant 1 : i32
      %sub3A_92 = arith.subi %div3A, %sub3A : i32
      %select_n3A = arith.select %and3A, %sub3A_92, %div3A : i32
      %jit3A_93 = arith.constant 2 : i32
      %eq3A_94 = arith.constant 0 : i32
      %eq3A_95 = arith.cmpi eq, %jit3A_93, %eq3A_94 : i32
      %jit3A_96 = arith.constant 1 : i32
      %select_n3A_97 = arith.select %eq3A_95, %jit3A_96, %jit3A_93 : i32
      %rem3A_98 = arith.remsi %scan3A_76, %select_n3A_97 : i32
      %ne3A_99 = arith.constant 0 : i32
      %ne3A_100 = arith.cmpi ne, %rem3A_98, %ne3A_99 : i32
      %lt3A_101 = arith.constant 0 : i32
      %lt3A_102 = arith.cmpi slt, %rem3A_98, %lt3A_101 : i32
      %lt3A_103 = arith.constant 0 : i32
      %lt3A_104 = arith.cmpi slt, %select_n3A_97, %lt3A_103 : i32
      %ne3A_105 = arith.xori %lt3A_102, %lt3A_104 : i1
      %and3A_106 = arith.andi %ne3A_105, %ne3A_100 : i1
      %add3A_107 = arith.addi %rem3A_98, %select_n3A_97 : i32
      %select_n3A_108 = arith.select %and3A_106, %add3A_107, %rem3A_98 : i32
      %mul3A_109 = arith.constant 32 : i32
      %mul3A_110 = arith.muli %select_n3A_108, %mul3A_109 : i32
      %swap3A = arith.index_cast %select_n3A : i32 to index
      %swap3A_111 = arith.index_cast %mul3A_110 : i32 to index
      %swap3A_112 = tpu.vector_load %arg11[%swap3A, %swap3A_111] {strides = array<i32>} : memref<128x64xbf16, #tpu.memory_space<vmem>>, vector<1x32xbf16>,
      %swap3A_113 = vector.shape_cast %swap3A_112 : vector<1x32xbf16> to vector<32xbf16>
      %swap3A_114 = vector.shape_cast %broadcast_in_dim3A_22 : vector<32xbf16> to vector<1x32xbf16>
      tpu.vector_store %arg11[%swap3A, %swap3A_111], %swap3A_114 {strides = array<i32>} : memref<128x64xbf16, #tpu.memory_space<vmem>>, vector<1x32xbf16>,
    }
    %scan3A_27 = arith.constant 256 : i32
    %mul3A_28 = arith.constant 626 : i32
    %mul3A_29 = arith.muli %arg1, %mul3A_28 : i32
    %add3A = arith.constant 0 : i32
    %add3A_30 = arith.addi %mul3A_29, %add3A : i32
    "tpu.region"() ({
      %run_scoped3A = tpu.sem_alloc : memref<!tpu.dma_semaphore, #tpu.memory_space<semaphore_mem>>
      %dma_start3A_76 = arith.constant 0 : i32
      %dma_start3A_77 = tpu.memref_slice %arg15[%add3A_30, %dma_start3A_76] : memref<10016x64xbf16, #tpu.memory_space<vmem_shared>> -> memref<128x64xbf16, #tpu.memory_space<vmem_shared>>
      %dma_start3A_78 = arith.constant 0 : i32
      %dma_start3A_79 = tpu.memref_slice %arg15[%add3A_30, %dma_start3A_78] : memref<10016x64xbf16, #tpu.memory_space<vmem_shared>> -> memref<128x64xbf16, #tpu.memory_space<vmem_shared>>
      tpu.enqueue_dma source(%arg11 : memref<128x64xbf16, #tpu.memory_space<vmem>>) target(%dma_start3A_79 : memref<128x64xbf16, #tpu.memory_space<vmem_shared>>) target_semaphore(%run_scoped3A : memref<!tpu.dma_semaphore, #tpu.memory_space<semaphore_mem>>)
      %dma_wait3A = arith.constant 0 : i32
      %dma_wait3A_80 = tpu.memref_slice %arg15[%add3A_30, %dma_wait3A] : memref<10016x64xbf16, #tpu.memory_space<vmem_shared>> -> memref<128x64xbf16, #tpu.memory_space<vmem_shared>>
      %dma_wait3A_81 = arith.constant 0 : i32
      %dma_wait3A_82 = tpu.memref_slice %arg15[%add3A_30, %dma_wait3A_81] : memref<10016x64xbf16, #tpu.memory_space<vmem_shared>> -> memref<128x64xbf16, #tpu.memory_space<vmem_shared>>
      tpu.wait_dma2 semaphore(%run_scoped3A : memref<!tpu.dma_semaphore, #tpu.memory_space<semaphore_mem>>) src(%arg11 : memref<128x64xbf16, #tpu.memory_space<vmem>>) dst(%dma_wait3A_82 : memref<128x64xbf16, #tpu.memory_space<vmem_shared>>)
      tpu.yield
    }) : () -> ()
    %add3A_31 = arith.constant 128 : i32
    %add3A_32 = arith.addi %mul3A_29, %add3A_31 : i32
    "tpu.region"() ({
      %run_scoped3A = tpu.sem_alloc : memref<!tpu.dma_semaphore, #tpu.memory_space<semaphore_mem>>
      %dma_start3A_76 = arith.constant 0 : i32
      %dma_start3A_77 = tpu.memref_slice %arg15[%add3A_32, %dma_start3A_76] : memref<10016x64xbf16, #tpu.memory_space<vmem_shared>> -> memref<128x64xbf16, #tpu.memory_space<vmem_shared>>
      %dma_start3A_78 = arith.constant 0 : i32
      %dma_start3A_79 = tpu.memref_slice %arg15[%add3A_32, %dma_start3A_78] : memref<10016x64xbf16, #tpu.memory_space<vmem_shared>> -> memref<128x64xbf16, #tpu.memory_space<vmem_shared>>
      tpu.enqueue_dma source(%arg11 : memref<128x64xbf16, #tpu.memory_space<vmem>>) target(%dma_start3A_79 : memref<128x64xbf16, #tpu.memory_space<vmem_shared>>) target_semaphore(%run_scoped3A : memref<!tpu.dma_semaphore, #tpu.memory_space<semaphore_mem>>)
      %dma_wait3A = arith.constant 0 : i32
      %dma_wait3A_80 = tpu.memref_slice %arg15[%add3A_32, %dma_wait3A] : memref<10016x64xbf16, #tpu.memory_space<vmem_shared>> -> memref<128x64xbf16, #tpu.memory_space<vmem_shared>>
      %dma_wait3A_81 = arith.constant 0 : i32
      %dma_wait3A_82 = tpu.memref_slice %arg15[%add3A_32, %dma_wait3A_81] : memref<10016x64xbf16, #tpu.memory_space<vmem_shared>> -> memref<128x64xbf16, #tpu.memory_space<vmem_shared>>
      tpu.wait_dma2 semaphore(%run_scoped3A : memref<!tpu.dma_semaphore, #tpu.memory_space<semaphore_mem>>) src(%arg11 : memref<128x64xbf16, #tpu.memory_space<vmem>>) dst(%dma_wait3A_82 : memref<128x64xbf16, #tpu.memory_space<vmem_shared>>)
      tpu.yield
    }) : () -> ()
    %add3A_33 = arith.constant 256 : i32
    %add3A_34 = arith.addi %mul3A_29, %add3A_33 : i32
    "tpu.region"() ({
      %run_scoped3A = tpu.sem_alloc : memref<!tpu.dma_semaphore, #tpu.memory_space<semaphore_mem>>
      %dma_start3A_76 = arith.constant 0 : i32
      %dma_start3A_77 = tpu.memref_slice %arg15[%add3A_34, %dma_start3A_76] : memref<10016x64xbf16, #tpu.memory_space<vmem_shared>> -> memref<128x64xbf16, #tpu.memory_space<vmem_shared>>
      %dma_start3A_78 = arith.constant 0 : i32
      %dma_start3A_79 = tpu.memref_slice %arg15[%add3A_34, %dma_start3A_78] : memref<10016x64xbf16, #tpu.memory_space<vmem_shared>> -> memref<128x64xbf16, #tpu.memory_space<vmem_shared>>
      tpu.enqueue_dma source(%arg11 : memref<128x64xbf16, #tpu.memory_space<vmem>>) target(%dma_start3A_79 : memref<128x64xbf16, #tpu.memory_space<vmem_shared>>) target_semaphore(%run_scoped3A : memref<!tpu.dma_semaphore, #tpu.memory_space<semaphore_mem>>)
      %dma_wait3A = arith.constant 0 : i32
      %dma_wait3A_80 = tpu.memref_slice %arg15[%add3A_34, %dma_wait3A] : memref<10016x64xbf16, #tpu.memory_space<vmem_shared>> -> memref<128x64xbf16, #tpu.memory_space<vmem_shared>>
      %dma_wait3A_81 = arith.constant 0 : i32
      %dma_wait3A_82 = tpu.memref_slice %arg15[%add3A_34, %dma_wait3A_81] : memref<10016x64xbf16, #tpu.memory_space<vmem_shared>> -> memref<128x64xbf16, #tpu.memory_space<vmem_shared>>
      tpu.wait_dma2 semaphore(%run_scoped3A : memref<!tpu.dma_semaphore, #tpu.memory_space<semaphore_mem>>) src(%arg11 : memref<128x64xbf16, #tpu.memory_space<vmem>>) dst(%dma_wait3A_82 : memref<128x64xbf16, #tpu.memory_space<vmem_shared>>)
      tpu.yield
    }) : () -> ()
    %add3A_35 = arith.constant 384 : i32
    %add3A_36 = arith.addi %mul3A_29, %add3A_35 : i32
    "tpu.region"() ({
      %run_scoped3A = tpu.sem_alloc : memref<!tpu.dma_semaphore, #tpu.memory_space<semaphore_mem>>
      %dma_start3A_76 = arith.constant 0 : i32
      %dma_start3A_77 = tpu.memref_slice %arg15[%add3A_36, %dma_start3A_76] : memref<10016x64xbf16, #tpu.memory_space<vmem_shared>> -> memref<128x64xbf16, #tpu.memory_space<vmem_shared>>
      %dma_start3A_78 = arith.constant 0 : i32
      %dma_start3A_79 = tpu.memref_slice %arg15[%add3A_36, %dma_start3A_78] : memref<10016x64xbf16, #tpu.memory_space<vmem_shared>> -> memref<128x64xbf16, #tpu.memory_space<vmem_shared>>
      tpu.enqueue_dma source(%arg11 : memref<128x64xbf16, #tpu.memory_space<vmem>>) target(%dma_start3A_79 : memref<128x64xbf16, #tpu.memory_space<vmem_shared>>) target_semaphore(%run_scoped3A : memref<!tpu.dma_semaphore, #tpu.memory_space<semaphore_mem>>)
      %dma_wait3A = arith.constant 0 : i32
      %dma_wait3A_80 = tpu.memref_slice %arg15[%add3A_36, %dma_wait3A] : memref<10016x64xbf16, #tpu.memory_space<vmem_shared>> -> memref<128x64xbf16, #tpu.memory_space<vmem_shared>>
      %dma_wait3A_81 = arith.constant 0 : i32
      %dma_wait3A_82 = tpu.memref_slice %arg15[%add3A_36, %dma_wait3A_81] : memref<10016x64xbf16, #tpu.memory_space<vmem_shared>> -> memref<128x64xbf16, #tpu.memory_space<vmem_shared>>
      tpu.wait_dma2 semaphore(%run_scoped3A : memref<!tpu.dma_semaphore, #tpu.memory_space<semaphore_mem>>) src(%arg11 : memref<128x64xbf16, #tpu.memory_space<vmem>>) dst(%dma_wait3A_82 : memref<128x64xbf16, #tpu.memory_space<vmem_shared>>)
      tpu.yield
    }) : () -> ()
    %add3A_37 = arith.constant 512 : i32
    %add3A_38 = arith.addi %mul3A_29, %add3A_37 : i32
    "tpu.region"() ({
      %run_scoped3A = tpu.sem_alloc : memref<!tpu.dma_semaphore, #tpu.memory_space<semaphore_mem>>
      %dma_start3A_76 = arith.constant 0 : i32
      %dma_start3A_77 = arith.constant 0 : i32
      %dma_start3A_78 = tpu.memref_slice %arg11[%dma_start3A_76, %dma_start3A_77] : memref<128x64xbf16, #tpu.memory_space<vmem>> -> memref<114x64xbf16, #tpu.memory_space<vmem>>
      %dma_start3A_79 = arith.constant 0 : i32
      %dma_start3A_80 = tpu.memref_slice %arg15[%add3A_38, %dma_start3A_79] : memref<10016x64xbf16, #tpu.memory_space<vmem_shared>> -> memref<114x64xbf16, #tpu.memory_space<vmem_shared>>
      %dma_start3A_81 = arith.constant 0 : i32
      %dma_start3A_82 = tpu.memref_slice %arg15[%add3A_38, %dma_start3A_81] : memref<10016x64xbf16, #tpu.memory_space<vmem_shared>> -> memref<114x64xbf16, #tpu.memory_space<vmem_shared>>
      %dma_start3A_83 = arith.constant 0 : i32
      %dma_start3A_84 = arith.constant 0 : i32
      %dma_start3A_85 = tpu.memref_slice %arg11[%dma_start3A_83, %dma_start3A_84] : memref<128x64xbf16, #tpu.memory_space<vmem>> -> memref<114x64xbf16, #tpu.memory_space<vmem>>
      tpu.enqueue_dma source(%dma_start3A_85 : memref<114x64xbf16, #tpu.memory_space<vmem>>) target(%dma_start3A_82 : memref<114x64xbf16, #tpu.memory_space<vmem_shared>>) target_semaphore(%run_scoped3A : memref<!tpu.dma_semaphore, #tpu.memory_space<semaphore_mem>>)
      %dma_wait3A = arith.constant 0 : i32
      %dma_wait3A_86 = arith.constant 0 : i32
      %dma_wait3A_87 = tpu.memref_slice %arg11[%dma_wait3A, %dma_wait3A_86] : memref<128x64xbf16, #tpu.memory_space<vmem>> -> memref<114x64xbf16, #tpu.memory_space<vmem>>
      %dma_wait3A_88 = arith.constant 0 : i32
      %dma_wait3A_89 = tpu.memref_slice %arg15[%add3A_38, %dma_wait3A_88] : memref<10016x64xbf16, #tpu.memory_space<vmem_shared>> -> memref<114x64xbf16, #tpu.memory_space<vmem_shared>>
      %dma_wait3A_90 = arith.constant 0 : i32
      %dma_wait3A_91 = tpu.memref_slice %arg15[%add3A_38, %dma_wait3A_90] : memref<10016x64xbf16, #tpu.memory_space<vmem_shared>> -> memref<114x64xbf16, #tpu.memory_space<vmem_shared>>
      %dma_wait3A_92 = arith.constant 0 : i32
      %dma_wait3A_93 = arith.constant 0 : i32
      %dma_wait3A_94 = tpu.memref_slice %arg11[%dma_wait3A_92, %dma_wait3A_93] : memref<128x64xbf16, #tpu.memory_space<vmem>> -> memref<114x64xbf16, #tpu.memory_space<vmem>>
      tpu.wait_dma2 semaphore(%run_scoped3A : memref<!tpu.dma_semaphore, #tpu.memory_space<semaphore_mem>>) src(%dma_wait3A_94 : memref<114x64xbf16, #tpu.memory_space<vmem>>) dst(%dma_wait3A_91 : memref<114x64xbf16, #tpu.memory_space<vmem_shared>>)
      tpu.yield
    }) : () -> ()
    %broadcast_in_dim3A_39 = arith.constant 0.000000e+00 : f32
    %broadcast_in_dim3A_40 = vector.broadcast %broadcast_in_dim3A_39 : f32 to vector<16xf32>
    %scan3A_41 = arith.constant 0 : i32
    %scan3A_42 = arith.constant 0 : i32
    %scan3A_43 = arith.constant 128 : i32
    %scan3A_44 = arith.addi %scan3A_42, %scan3A_43 : i32
    %scan3A_45 = arith.constant 1 : i32
    scf.for %scan3A_76 = %scan3A_42 to %scan3A_44 step %scan3A_45  : i32 {
      %jit3A = arith.constant 1 : i32
      %div3A = arith.divsi %scan3A_76, %jit3A : i32
      %sign3A = arith.constant 0 : i32
      %sign3A_77 = arith.cmpi sgt, %scan3A_76, %sign3A : i32
      %sign3A_78 = arith.extui %sign3A_77 : i1 to i32
      %sign3A_79 = arith.constant 0 : i32
      %sign3A_80 = arith.cmpi slt, %scan3A_76, %sign3A_79 : i32
      %sign3A_81 = arith.extui %sign3A_80 : i1 to i32
      %sign3A_82 = arith.subi %sign3A_78, %sign3A_81 : i32
      %sign3A_83 = arith.constant 0 : i32
      %sign3A_84 = arith.cmpi sgt, %jit3A, %sign3A_83 : i32
      %sign3A_85 = arith.extui %sign3A_84 : i1 to i32
      %sign3A_86 = arith.constant 0 : i32
      %sign3A_87 = arith.cmpi slt, %jit3A, %sign3A_86 : i32
      %sign3A_88 = arith.extui %sign3A_87 : i1 to i32
      %sign3A_89 = arith.subi %sign3A_85, %sign3A_88 : i32
      %ne3A = arith.cmpi ne, %sign3A_82, %sign3A_89 : i32
      %rem3A = arith.remsi %scan3A_76, %jit3A : i32
      %ne3A_90 = arith.constant 0 : i32
      %ne3A_91 = arith.cmpi ne, %rem3A, %ne3A_90 : i32
      %and3A = arith.andi %ne3A, %ne3A_91 : i1
      %sub3A = arith.constant 1 : i32
      %sub3A_92 = arith.subi %div3A, %sub3A : i32
      %select_n3A = arith.select %and3A, %sub3A_92, %div3A : i32
      %jit3A_93 = arith.constant 1 : i32
      %eq3A_94 = arith.constant 0 : i32
      %eq3A_95 = arith.cmpi eq, %jit3A_93, %eq3A_94 : i32
      %jit3A_96 = arith.constant 1 : i32
      %select_n3A_97 = arith.select %eq3A_95, %jit3A_96, %jit3A_93 : i32
      %rem3A_98 = arith.remsi %scan3A_76, %select_n3A_97 : i32
      %ne3A_99 = arith.constant 0 : i32
      %ne3A_100 = arith.cmpi ne, %rem3A_98, %ne3A_99 : i32
      %lt3A_101 = arith.constant 0 : i32
      %lt3A_102 = arith.cmpi slt, %rem3A_98, %lt3A_101 : i32
      %lt3A_103 = arith.constant 0 : i32
      %lt3A_104 = arith.cmpi slt, %select_n3A_97, %lt3A_103 : i32
      %ne3A_105 = arith.xori %lt3A_102, %lt3A_104 : i1
      %and3A_106 = arith.andi %ne3A_105, %ne3A_100 : i1
      %add3A_107 = arith.addi %rem3A_98, %select_n3A_97 : i32
      %select_n3A_108 = arith.select %and3A_106, %add3A_107, %rem3A_98 : i32
      %mul3A_109 = arith.constant 16 : i32
      %mul3A_110 = arith.muli %select_n3A_108, %mul3A_109 : i32
      %swap3A = arith.index_cast %select_n3A : i32 to index
      %swap3A_111 = arith.index_cast %mul3A_110 : i32 to index
      %swap3A_112 = tpu.vector_load %arg13[%swap3A, %swap3A_111] {strides = array<i32>} : memref<128x16xf32, #tpu.memory_space<vmem>>, vector<1x16xf32>,
      %swap3A_113 = vector.shape_cast %swap3A_112 : vector<1x16xf32> to vector<16xf32>
      %swap3A_114 = vector.shape_cast %broadcast_in_dim3A_40 : vector<16xf32> to vector<1x16xf32>
      tpu.vector_store %arg13[%swap3A, %swap3A_111], %swap3A_114 {strides = array<i32>} : memref<128x16xf32, #tpu.memory_space<vmem>>, vector<1x16xf32>,
    }
    %scan3A_46 = arith.constant 128 : i32
    %mul3A_47 = arith.constant 626 : i32
    %mul3A_48 = arith.muli %arg1, %mul3A_47 : i32
    %add3A_49 = arith.constant 0 : i32
    %add3A_50 = arith.addi %mul3A_48, %add3A_49 : i32
    "tpu.region"() ({
      %run_scoped3A = tpu.sem_alloc : memref<!tpu.dma_semaphore, #tpu.memory_space<semaphore_mem>>
      %dma_start3A_76 = arith.constant 0 : i32
      %dma_start3A_77 = tpu.memref_slice %arg16[%add3A_50, %dma_start3A_76] : memref<10016x16xf32, #tpu.memory_space<vmem_shared>> -> memref<128x16xf32, #tpu.memory_space<vmem_shared>>
      %dma_start3A_78 = arith.constant 0 : i32
      %dma_start3A_79 = tpu.memref_slice %arg16[%add3A_50, %dma_start3A_78] : memref<10016x16xf32, #tpu.memory_space<vmem_shared>> -> memref<128x16xf32, #tpu.memory_space<vmem_shared>>
      tpu.enqueue_dma source(%arg13 : memref<128x16xf32, #tpu.memory_space<vmem>>) target(%dma_start3A_79 : memref<128x16xf32, #tpu.memory_space<vmem_shared>>) target_semaphore(%run_scoped3A : memref<!tpu.dma_semaphore, #tpu.memory_space<semaphore_mem>>)
      %dma_wait3A = arith.constant 0 : i32
      %dma_wait3A_80 = tpu.memref_slice %arg16[%add3A_50, %dma_wait3A] : memref<10016x16xf32, #tpu.memory_space<vmem_shared>> -> memref<128x16xf32, #tpu.memory_space<vmem_shared>>
      %dma_wait3A_81 = arith.constant 0 : i32
      %dma_wait3A_82 = tpu.memref_slice %arg16[%add3A_50, %dma_wait3A_81] : memref<10016x16xf32, #tpu.memory_space<vmem_shared>> -> memref<128x16xf32, #tpu.memory_space<vmem_shared>>
      tpu.wait_dma2 semaphore(%run_scoped3A : memref<!tpu.dma_semaphore, #tpu.memory_space<semaphore_mem>>) src(%arg13 : memref<128x16xf32, #tpu.memory_space<vmem>>) dst(%dma_wait3A_82 : memref<128x16xf32, #tpu.memory_space<vmem_shared>>)
      tpu.yield
    }) : () -> ()
    %add3A_51 = arith.constant 128 : i32
    %add3A_52 = arith.addi %mul3A_48, %add3A_51 : i32
    "tpu.region"() ({
      %run_scoped3A = tpu.sem_alloc : memref<!tpu.dma_semaphore, #tpu.memory_space<semaphore_mem>>
      %dma_start3A_76 = arith.constant 0 : i32
      %dma_start3A_77 = tpu.memref_slice %arg16[%add3A_52, %dma_start3A_76] : memref<10016x16xf32, #tpu.memory_space<vmem_shared>> -> memref<128x16xf32, #tpu.memory_space<vmem_shared>>
      %dma_start3A_78 = arith.constant 0 : i32
      %dma_start3A_79 = tpu.memref_slice %arg16[%add3A_52, %dma_start3A_78] : memref<10016x16xf32, #tpu.memory_space<vmem_shared>> -> memref<128x16xf32, #tpu.memory_space<vmem_shared>>
      tpu.enqueue_dma source(%arg13 : memref<128x16xf32, #tpu.memory_space<vmem>>) target(%dma_start3A_79 : memref<128x16xf32, #tpu.memory_space<vmem_shared>>) target_semaphore(%run_scoped3A : memref<!tpu.dma_semaphore, #tpu.memory_space<semaphore_mem>>)
      %dma_wait3A = arith.constant 0 : i32
      %dma_wait3A_80 = tpu.memref_slice %arg16[%add3A_52, %dma_wait3A] : memref<10016x16xf32, #tpu.memory_space<vmem_shared>> -> memref<128x16xf32, #tpu.memory_space<vmem_shared>>
      %dma_wait3A_81 = arith.constant 0 : i32
      %dma_wait3A_82 = tpu.memref_slice %arg16[%add3A_52, %dma_wait3A_81] : memref<10016x16xf32, #tpu.memory_space<vmem_shared>> -> memref<128x16xf32, #tpu.memory_space<vmem_shared>>
      tpu.wait_dma2 semaphore(%run_scoped3A : memref<!tpu.dma_semaphore, #tpu.memory_space<semaphore_mem>>) src(%arg13 : memref<128x16xf32, #tpu.memory_space<vmem>>) dst(%dma_wait3A_82 : memref<128x16xf32, #tpu.memory_space<vmem_shared>>)
      tpu.yield
    }) : () -> ()
    %add3A_53 = arith.constant 256 : i32
    %add3A_54 = arith.addi %mul3A_48, %add3A_53 : i32
    "tpu.region"() ({
      %run_scoped3A = tpu.sem_alloc : memref<!tpu.dma_semaphore, #tpu.memory_space<semaphore_mem>>
      %dma_start3A_76 = arith.constant 0 : i32
      %dma_start3A_77 = tpu.memref_slice %arg16[%add3A_54, %dma_start3A_76] : memref<10016x16xf32, #tpu.memory_space<vmem_shared>> -> memref<128x16xf32, #tpu.memory_space<vmem_shared>>
      %dma_start3A_78 = arith.constant 0 : i32
      %dma_start3A_79 = tpu.memref_slice %arg16[%add3A_54, %dma_start3A_78] : memref<10016x16xf32, #tpu.memory_space<vmem_shared>> -> memref<128x16xf32, #tpu.memory_space<vmem_shared>>
      tpu.enqueue_dma source(%arg13 : memref<128x16xf32, #tpu.memory_space<vmem>>) target(%dma_start3A_79 : memref<128x16xf32, #tpu.memory_space<vmem_shared>>) target_semaphore(%run_scoped3A : memref<!tpu.dma_semaphore, #tpu.memory_space<semaphore_mem>>)
      %dma_wait3A = arith.constant 0 : i32
      %dma_wait3A_80 = tpu.memref_slice %arg16[%add3A_54, %dma_wait3A] : memref<10016x16xf32, #tpu.memory_space<vmem_shared>> -> memref<128x16xf32, #tpu.memory_space<vmem_shared>>
      %dma_wait3A_81 = arith.constant 0 : i32
      %dma_wait3A_82 = tpu.memref_slice %arg16[%add3A_54, %dma_wait3A_81] : memref<10016x16xf32, #tpu.memory_space<vmem_shared>> -> memref<128x16xf32, #tpu.memory_space<vmem_shared>>
      tpu.wait_dma2 semaphore(%run_scoped3A : memref<!tpu.dma_semaphore, #tpu.memory_space<semaphore_mem>>) src(%arg13 : memref<128x16xf32, #tpu.memory_space<vmem>>) dst(%dma_wait3A_82 : memref<128x16xf32, #tpu.memory_space<vmem_shared>>)
      tpu.yield
    }) : () -> ()
    %add3A_55 = arith.constant 384 : i32
    %add3A_56 = arith.addi %mul3A_48, %add3A_55 : i32
    "tpu.region"() ({
      %run_scoped3A = tpu.sem_alloc : memref<!tpu.dma_semaphore, #tpu.memory_space<semaphore_mem>>
      %dma_start3A_76 = arith.constant 0 : i32
      %dma_start3A_77 = tpu.memref_slice %arg16[%add3A_56, %dma_start3A_76] : memref<10016x16xf32, #tpu.memory_space<vmem_shared>> -> memref<128x16xf32, #tpu.memory_space<vmem_shared>>
      %dma_start3A_78 = arith.constant 0 : i32
      %dma_start3A_79 = tpu.memref_slice %arg16[%add3A_56, %dma_start3A_78] : memref<10016x16xf32, #tpu.memory_space<vmem_shared>> -> memref<128x16xf32, #tpu.memory_space<vmem_shared>>
      tpu.enqueue_dma source(%arg13 : memref<128x16xf32, #tpu.memory_space<vmem>>) target(%dma_start3A_79 : memref<128x16xf32, #tpu.memory_space<vmem_shared>>) target_semaphore(%run_scoped3A : memref<!tpu.dma_semaphore, #tpu.memory_space<semaphore_mem>>)
      %dma_wait3A = arith.constant 0 : i32
      %dma_wait3A_80 = tpu.memref_slice %arg16[%add3A_56, %dma_wait3A] : memref<10016x16xf32, #tpu.memory_space<vmem_shared>> -> memref<128x16xf32, #tpu.memory_space<vmem_shared>>
      %dma_wait3A_81 = arith.constant 0 : i32
      %dma_wait3A_82 = tpu.memref_slice %arg16[%add3A_56, %dma_wait3A_81] : memref<10016x16xf32, #tpu.memory_space<vmem_shared>> -> memref<128x16xf32, #tpu.memory_space<vmem_shared>>
      tpu.wait_dma2 semaphore(%run_scoped3A : memref<!tpu.dma_semaphore, #tpu.memory_space<semaphore_mem>>) src(%arg13 : memref<128x16xf32, #tpu.memory_space<vmem>>) dst(%dma_wait3A_82 : memref<128x16xf32, #tpu.memory_space<vmem_shared>>)
      tpu.yield
    }) : () -> ()
    %add3A_57 = arith.constant 512 : i32
    %add3A_58 = arith.addi %mul3A_48, %add3A_57 : i32
    "tpu.region"() ({
      %run_scoped3A = tpu.sem_alloc : memref<!tpu.dma_semaphore, #tpu.memory_space<semaphore_mem>>
      %dma_start3A_76 = arith.constant 0 : i32
      %dma_start3A_77 = arith.constant 0 : i32
      %dma_start3A_78 = tpu.memref_slice %arg13[%dma_start3A_76, %dma_start3A_77] : memref<128x16xf32, #tpu.memory_space<vmem>> -> memref<114x16xf32, #tpu.memory_space<vmem>>
      %dma_start3A_79 = arith.constant 0 : i32
      %dma_start3A_80 = tpu.memref_slice %arg16[%add3A_58, %dma_start3A_79] : memref<10016x16xf32, #tpu.memory_space<vmem_shared>> -> memref<114x16xf32, #tpu.memory_space<vmem_shared>>
      %dma_start3A_81 = arith.constant 0 : i32
      %dma_start3A_82 = tpu.memref_slice %arg16[%add3A_58, %dma_start3A_81] : memref<10016x16xf32, #tpu.memory_space<vmem_shared>> -> memref<114x16xf32, #tpu.memory_space<vmem_shared>>
      %dma_start3A_83 = arith.constant 0 : i32
      %dma_start3A_84 = arith.constant 0 : i32
      %dma_start3A_85 = tpu.memref_slice %arg13[%dma_start3A_83, %dma_start3A_84] : memref<128x16xf32, #tpu.memory_space<vmem>> -> memref<114x16xf32, #tpu.memory_space<vmem>>
      tpu.enqueue_dma source(%dma_start3A_85 : memref<114x16xf32, #tpu.memory_space<vmem>>) target(%dma_start3A_82 : memref<114x16xf32, #tpu.memory_space<vmem_shared>>) target_semaphore(%run_scoped3A : memref<!tpu.dma_semaphore, #tpu.memory_space<semaphore_mem>>)
      %dma_wait3A = arith.constant 0 : i32
      %dma_wait3A_86 = arith.constant 0 : i32
      %dma_wait3A_87 = tpu.memref_slice %arg13[%dma_wait3A, %dma_wait3A_86] : memref<128x16xf32, #tpu.memory_space<vmem>> -> memref<114x16xf32, #tpu.memory_space<vmem>>
      %dma_wait3A_88 = arith.constant 0 : i32
      %dma_wait3A_89 = tpu.memref_slice %arg16[%add3A_58, %dma_wait3A_88] : memref<10016x16xf32, #tpu.memory_space<vmem_shared>> -> memref<114x16xf32, #tpu.memory_space<vmem_shared>>
      %dma_wait3A_90 = arith.constant 0 : i32
      %dma_wait3A_91 = tpu.memref_slice %arg16[%add3A_58, %dma_wait3A_90] : memref<10016x16xf32, #tpu.memory_space<vmem_shared>> -> memref<114x16xf32, #tpu.memory_space<vmem_shared>>
      %dma_wait3A_92 = arith.constant 0 : i32
      %dma_wait3A_93 = arith.constant 0 : i32
      %dma_wait3A_94 = tpu.memref_slice %arg13[%dma_wait3A_92, %dma_wait3A_93] : memref<128x16xf32, #tpu.memory_space<vmem>> -> memref<114x16xf32, #tpu.memory_space<vmem>>
      tpu.wait_dma2 semaphore(%run_scoped3A : memref<!tpu.dma_semaphore, #tpu.memory_space<semaphore_mem>>) src(%dma_wait3A_94 : memref<114x16xf32, #tpu.memory_space<vmem>>) dst(%dma_wait3A_91 : memref<114x16xf32, #tpu.memory_space<vmem_shared>>)
      tpu.yield
    }) : () -> ()
    %broadcast_in_dim3A_59 = arith.constant 1.000000e+00 : f32
    %broadcast_in_dim3A_60 = vector.broadcast %broadcast_in_dim3A_59 : f32 to vector<16xf32>
    %scan3A_61 = arith.constant 0 : i32
    %scan3A_62 = arith.constant 0 : i32
    %scan3A_63 = arith.constant 128 : i32
    %scan3A_64 = arith.addi %scan3A_62, %scan3A_63 : i32
    %scan3A_65 = arith.constant 1 : i32
    scf.for %scan3A_76 = %scan3A_62 to %scan3A_64 step %scan3A_65  : i32 {
      %jit3A = arith.constant 1 : i32
      %div3A = arith.divsi %scan3A_76, %jit3A : i32
      %sign3A = arith.constant 0 : i32
      %sign3A_77 = arith.cmpi sgt, %scan3A_76, %sign3A : i32
      %sign3A_78 = arith.extui %sign3A_77 : i1 to i32
      %sign3A_79 = arith.constant 0 : i32
      %sign3A_80 = arith.cmpi slt, %scan3A_76, %sign3A_79 : i32
      %sign3A_81 = arith.extui %sign3A_80 : i1 to i32
      %sign3A_82 = arith.subi %sign3A_78, %sign3A_81 : i32
      %sign3A_83 = arith.constant 0 : i32
      %sign3A_84 = arith.cmpi sgt, %jit3A, %sign3A_83 : i32
      %sign3A_85 = arith.extui %sign3A_84 : i1 to i32
      %sign3A_86 = arith.constant 0 : i32
      %sign3A_87 = arith.cmpi slt, %jit3A, %sign3A_86 : i32
      %sign3A_88 = arith.extui %sign3A_87 : i1 to i32
      %sign3A_89 = arith.subi %sign3A_85, %sign3A_88 : i32
      %ne3A = arith.cmpi ne, %sign3A_82, %sign3A_89 : i32
      %rem3A = arith.remsi %scan3A_76, %jit3A : i32
      %ne3A_90 = arith.constant 0 : i32
      %ne3A_91 = arith.cmpi ne, %rem3A, %ne3A_90 : i32
      %and3A = arith.andi %ne3A, %ne3A_91 : i1
      %sub3A = arith.constant 1 : i32
      %sub3A_92 = arith.subi %div3A, %sub3A : i32
      %select_n3A = arith.select %and3A, %sub3A_92, %div3A : i32
      %jit3A_93 = arith.constant 1 : i32
      %eq3A_94 = arith.constant 0 : i32
      %eq3A_95 = arith.cmpi eq, %jit3A_93, %eq3A_94 : i32
      %jit3A_96 = arith.constant 1 : i32
      %select_n3A_97 = arith.select %eq3A_95, %jit3A_96, %jit3A_93 : i32
      %rem3A_98 = arith.remsi %scan3A_76, %select_n3A_97 : i32
      %ne3A_99 = arith.constant 0 : i32
      %ne3A_100 = arith.cmpi ne, %rem3A_98, %ne3A_99 : i32
      %lt3A_101 = arith.constant 0 : i32
      %lt3A_102 = arith.cmpi slt, %rem3A_98, %lt3A_101 : i32
      %lt3A_103 = arith.constant 0 : i32
      %lt3A_104 = arith.cmpi slt, %select_n3A_97, %lt3A_103 : i32
      %ne3A_105 = arith.xori %lt3A_102, %lt3A_104 : i1
      %and3A_106 = arith.andi %ne3A_105, %ne3A_100 : i1
      %add3A_107 = arith.addi %rem3A_98, %select_n3A_97 : i32
      %select_n3A_108 = arith.select %and3A_106, %add3A_107, %rem3A_98 : i32
      %mul3A_109 = arith.constant 16 : i32
      %mul3A_110 = arith.muli %select_n3A_108, %mul3A_109 : i32
      %swap3A = arith.index_cast %select_n3A : i32 to index
      %swap3A_111 = arith.index_cast %mul3A_110 : i32 to index
      %swap3A_112 = tpu.vector_load %arg13[%swap3A, %swap3A_111] {strides = array<i32>} : memref<128x16xf32, #tpu.memory_space<vmem>>, vector<1x16xf32>,
      %swap3A_113 = vector.shape_cast %swap3A_112 : vector<1x16xf32> to vector<16xf32>
      %swap3A_114 = vector.shape_cast %broadcast_in_dim3A_60 : vector<16xf32> to vector<1x16xf32>
      tpu.vector_store %arg13[%swap3A, %swap3A_111], %swap3A_114 {strides = array<i32>} : memref<128x16xf32, #tpu.memory_space<vmem>>, vector<1x16xf32>,
    }
    %scan3A_66 = arith.constant 128 : i32
    %barrier3A = arith.constant 0 : index
    tpu.barrier barrier_id(%barrier3A)
    %scan3A_67 = arith.constant 0 : i32
    %scan3A_68 = arith.constant 0 : i32
    %scan3A_69 = arith.constant 5 : i32
    %scan3A_70 = arith.addi %scan3A_68, %scan3A_69 : i32
    %scan3A_71 = arith.constant 1 : i32
    scf.for %scan3A_76 = %scan3A_68 to %scan3A_70 step %scan3A_71  : i32 {
      %mul3A_77 = arith.constant 2 : i32
      %mul3A_78 = arith.muli %mul3A_77, %scan3A_76 : i32
      %mul3A_79 = arith.constant 2 : i32
      %mul3A_80 = arith.muli %mul3A_79, %scan3A_76 : i32
      %add3A_81 = arith.constant 1 : i32
      %add3A_82 = arith.addi %mul3A_80, %add3A_81 : i32
      %mul3A_83 = arith.constant 16 : i32
      %mul3A_84 = arith.muli %mul3A_78, %mul3A_83 : i32
      %dma_wait3A = arith.constant 0 : i32
      %dma_wait3A_85 = tpu.memref_slice %arg3[%arg1, %mul3A_84, %dma_wait3A] : memref<16x160x128xi32, #tpu.memory_space<hbm>> -> memref<1x16x128xi32, #tpu.memory_space<hbm>>
      %dma_wait3A_86 = tpu.memref_squeeze %dma_wait3A_85 : memref<1x16x128xi32, #tpu.memory_space<hbm>> -> memref<16x128xi32, #tpu.memory_space<hbm>>
      %dma_wait3A_87 = arith.constant 0 : i32
      %dma_wait3A_88 = tpu.memref_slice %arg3[%arg1, %mul3A_84, %dma_wait3A_87] : memref<16x160x128xi32, #tpu.memory_space<hbm>> -> memref<1x16x128xi32, #tpu.memory_space<hbm>>
      %dma_wait3A_89 = tpu.memref_squeeze %dma_wait3A_88 : memref<1x16x128xi32, #tpu.memory_space<hbm>> -> memref<16x128xi32, #tpu.memory_space<hbm>>
      tpu.wait_dma2 semaphore(%arg17 : memref<!tpu.dma_semaphore, #tpu.memory_space<semaphore_mem>>) src(%dma_wait3A_89 : memref<16x128xi32, #tpu.memory_space<hbm>>) dst(%arg7 : memref<16x128xi32, #tpu.memory_space<vmem>>)
      %mul3A_90 = arith.constant 16 : i32
      %mul3A_91 = arith.muli %mul3A_78, %mul3A_90 : i32
      %dma_wait3A_92 = arith.constant 0 : i32
      %dma_wait3A_93 = tpu.memref_slice %arg4[%arg1, %mul3A_91, %dma_wait3A_92] : memref<16x160x128xi32, #tpu.memory_space<hbm>> -> memref<1x16x128xi32, #tpu.memory_space<hbm>>
      %dma_wait3A_94 = tpu.memref_squeeze %dma_wait3A_93 : memref<1x16x128xi32, #tpu.memory_space<hbm>> -> memref<16x128xi32, #tpu.memory_space<hbm>>
      %dma_wait3A_95 = arith.constant 0 : i32
      %dma_wait3A_96 = tpu.memref_slice %arg4[%arg1, %mul3A_91, %dma_wait3A_95] : memref<16x160x128xi32, #tpu.memory_space<hbm>> -> memref<1x16x128xi32, #tpu.memory_space<hbm>>
      %dma_wait3A_97 = tpu.memref_squeeze %dma_wait3A_96 : memref<1x16x128xi32, #tpu.memory_space<hbm>> -> memref<16x128xi32, #tpu.memory_space<hbm>>
      tpu.wait_dma2 semaphore(%arg17 : memref<!tpu.dma_semaphore, #tpu.memory_space<semaphore_mem>>) src(%dma_wait3A_97 : memref<16x128xi32, #tpu.memory_space<hbm>>) dst(%arg8 : memref<16x128xi32, #tpu.memory_space<vmem>>)
      %mul3A_98 = arith.constant 16 : i32
      %mul3A_99 = arith.muli %add3A_82, %mul3A_98 : i32
      %dma_start3A_100 = arith.constant 0 : i32
      %dma_start3A_101 = tpu.memref_slice %arg3[%arg1, %mul3A_99, %dma_start3A_100] : memref<16x160x128xi32, #tpu.memory_space<hbm>> -> memref<1x16x128xi32, #tpu.memory_space<hbm>>
      %dma_start3A_102 = tpu.memref_squeeze %dma_start3A_101 : memref<1x16x128xi32, #tpu.memory_space<hbm>> -> memref<16x128xi32, #tpu.memory_space<hbm>>
      %dma_start3A_103 = arith.constant 0 : i32
      %dma_start3A_104 = tpu.memref_slice %arg3[%arg1, %mul3A_99, %dma_start3A_103] : memref<16x160x128xi32, #tpu.memory_space<hbm>> -> memref<1x16x128xi32, #tpu.memory_space<hbm>>
      %dma_start3A_105 = tpu.memref_squeeze %dma_start3A_104 : memref<1x16x128xi32, #tpu.memory_space<hbm>> -> memref<16x128xi32, #tpu.memory_space<hbm>>
      tpu.enqueue_dma source(%dma_start3A_105 : memref<16x128xi32, #tpu.memory_space<hbm>>) target(%arg9 : memref<16x128xi32, #tpu.memory_space<vmem>>) target_semaphore(%arg18 : memref<!tpu.dma_semaphore, #tpu.memory_space<semaphore_mem>>)
      %mul3A_106 = arith.constant 16 : i32
      %mul3A_107 = arith.muli %add3A_82, %mul3A_106 : i32
      %dma_start3A_108 = arith.constant 0 : i32
      %dma_start3A_109 = tpu.memref_slice %arg4[%arg1, %mul3A_107, %dma_start3A_108] : memref<16x160x128xi32, #tpu.memory_space<hbm>> -> memref<1x16x128xi32, #tpu.memory_space<hbm>>
      %dma_start3A_110 = tpu.memref_squeeze %dma_start3A_109 : memref<1x16x128xi32, #tpu.memory_space<hbm>> -> memref<16x128xi32, #tpu.memory_space<hbm>>
      %dma_start3A_111 = arith.constant 0 : i32
      %dma_start3A_112 = tpu.memref_slice %arg4[%arg1, %mul3A_107, %dma_start3A_111] : memref<16x160x128xi32, #tpu.memory_space<hbm>> -> memref<1x16x128xi32, #tpu.memory_space<hbm>>
      %dma_start3A_113 = tpu.memref_squeeze %dma_start3A_112 : memref<1x16x128xi32, #tpu.memory_space<hbm>> -> memref<16x128xi32, #tpu.memory_space<hbm>>
      tpu.enqueue_dma source(%dma_start3A_113 : memref<16x128xi32, #tpu.memory_space<hbm>>) target(%arg10 : memref<16x128xi32, #tpu.memory_space<vmem>>) target_semaphore(%arg18 : memref<!tpu.dma_semaphore, #tpu.memory_space<semaphore_mem>>)
      %dma_start3A_114 = arith.constant 0 : i32
      %dma_start3A_115 = arith.constant 0 : i32
      %dma_start3A_116 = tpu.memref_slice %arg7[%dma_start3A_114, %dma_start3A_115] : memref<16x128xi32, #tpu.memory_space<vmem>> -> memref<1x128xi32, #tpu.memory_space<vmem>>
      %dma_start3A_117 = tpu.memref_squeeze %dma_start3A_116 : memref<1x128xi32, #tpu.memory_space<vmem>> -> memref<128xi32, #tpu.memory_space<vmem>>
      %dma_start3A_118 = arith.constant 0 : i32
      %dma_start3A_119 = arith.constant 0 : i32
      %dma_start3A_120 = tpu.memref_slice %arg14[%dma_start3A_118, %dma_start3A_119] : memref<10016x64xbf16, #tpu.memory_space<vmem_shared>> -> memref<10016x64xbf16, #tpu.memory_space<vmem_shared>>
      tpu.enqueue_indirect_dma source(%dma_start3A_120 : memref<10016x64xbf16, #tpu.memory_space<vmem_shared>>) target(%arg11 : memref<128x64xbf16, #tpu.memory_space<vmem>>) offsets(%dma_start3A_117 : memref<128xi32, #tpu.memory_space<vmem>>) semaphore(%arg19 : memref<!tpu.dma_semaphore, #tpu.memory_space<semaphore_mem>>)
      %scan3A_121 = arith.constant 0 : i32
      %scan3A_122 = arith.constant 0 : i32
      %scan3A_123 = arith.constant 8 : i32
      %scan3A_124 = arith.addi %scan3A_122, %scan3A_123 : i32
      %scan3A_125 = arith.constant 1 : i32
      scf.for %scan3A_163 = %scan3A_122 to %scan3A_124 step %scan3A_125  : i32 {
        %mul3A_164 = arith.constant 2 : i32
        %mul3A_165 = arith.muli %mul3A_164, %scan3A_163 : i32
        %add3A_166 = arith.constant 1 : i32
        %add3A_167 = arith.addi %mul3A_165, %add3A_166 : i32
        %dma_start3A_168 = arith.constant 0 : i32
        %dma_start3A_169 = tpu.memref_slice %arg7[%add3A_167, %dma_start3A_168] : memref<16x128xi32, #tpu.memory_space<vmem>> -> memref<1x128xi32, #tpu.memory_space<vmem>>
        %dma_start3A_170 = tpu.memref_squeeze %dma_start3A_169 : memref<1x128xi32, #tpu.memory_space<vmem>> -> memref<128xi32, #tpu.memory_space<vmem>>
        %dma_start3A_171 = arith.constant 0 : i32
        %dma_start3A_172 = arith.constant 0 : i32
        %dma_start3A_173 = tpu.memref_slice %arg14[%dma_start3A_171, %dma_start3A_172] : memref<10016x64xbf16, #tpu.memory_space<vmem_shared>> -> memref<10016x64xbf16, #tpu.memory_space<vmem_shared>>
        tpu.enqueue_indirect_dma source(%dma_start3A_173 : memref<10016x64xbf16, #tpu.memory_space<vmem_shared>>) target(%arg12 : memref<128x64xbf16, #tpu.memory_space<vmem>>) offsets(%dma_start3A_170 : memref<128xi32, #tpu.memory_space<vmem>>) semaphore(%arg20 : memref<!tpu.dma_semaphore, #tpu.memory_space<semaphore_mem>>)
        %mul3A_174 = arith.constant 2 : i32
        %mul3A_175 = arith.muli %mul3A_174, %scan3A_163 : i32
        %dma_wait3A_176 = arith.constant 0 : i32
        %dma_wait3A_177 = tpu.memref_slice %arg7[%mul3A_175, %dma_wait3A_176] : memref<16x128xi32, #tpu.memory_space<vmem>> -> memref<1x128xi32, #tpu.memory_space<vmem>>
        %dma_wait3A_178 = tpu.memref_squeeze %dma_wait3A_177 : memref<1x128xi32, #tpu.memory_space<vmem>> -> memref<128xi32, #tpu.memory_space<vmem>>
        %dma_wait3A_179 = arith.constant 0 : i32
        %dma_wait3A_180 = arith.constant 0 : i32
        %dma_wait3A_181 = tpu.memref_slice %arg14[%dma_wait3A_179, %dma_wait3A_180] : memref<10016x64xbf16, #tpu.memory_space<vmem_shared>> -> memref<10016x64xbf16, #tpu.memory_space<vmem_shared>>
        tpu.wait_indirect_dma semaphore(%arg19 : memref<!tpu.dma_semaphore, #tpu.memory_space<semaphore_mem>>) src(%dma_wait3A_181 : memref<10016x64xbf16, #tpu.memory_space<vmem_shared>>) dst(%arg11 : memref<128x64xbf16, #tpu.memory_space<vmem>>)
        %mul3A_182 = arith.constant 2 : i32
        %mul3A_183 = arith.muli %mul3A_182, %scan3A_163 : i32
        "tpu.region"() ({
          %run_scoped3A = tpu.sem_alloc : memref<!tpu.dma_semaphore, #tpu.memory_space<semaphore_mem>>
          %dma_start3A_217 = arith.constant 0 : i32
          %dma_start3A_218 = tpu.memref_slice %arg8[%mul3A_183, %dma_start3A_217] : memref<16x128xi32, #tpu.memory_space<vmem>> -> memref<1x128xi32, #tpu.memory_space<vmem>>
          %dma_start3A_219 = tpu.memref_squeeze %dma_start3A_218 : memref<1x128xi32, #tpu.memory_space<vmem>> -> memref<128xi32, #tpu.memory_space<vmem>>
          %dma_start3A_220 = arith.constant 0 : i32
          %dma_start3A_221 = arith.constant 0 : i32
          %dma_start3A_222 = tpu.memref_slice %arg15[%dma_start3A_220, %dma_start3A_221] : memref<10016x64xbf16, #tpu.memory_space<vmem_shared>> -> memref<10016x64xbf16, #tpu.memory_space<vmem_shared>>
          tpu.enqueue_indirect_dma source(%arg11 : memref<128x64xbf16, #tpu.memory_space<vmem>>) target(%dma_start3A_222 : memref<10016x64xbf16, #tpu.memory_space<vmem_shared>>) offsets(%dma_start3A_219 : memref<128xi32, #tpu.memory_space<vmem>>) semaphore(%run_scoped3A : memref<!tpu.dma_semaphore, #tpu.memory_space<semaphore_mem>>) {add = true}
          %dma_wait3A_223 = arith.constant 0 : i32
          %dma_wait3A_224 = tpu.memref_slice %arg8[%mul3A_183, %dma_wait3A_223] : memref<16x128xi32, #tpu.memory_space<vmem>> -> memref<1x128xi32, #tpu.memory_space<vmem>>
          %dma_wait3A_225 = tpu.memref_squeeze %dma_wait3A_224 : memref<1x128xi32, #tpu.memory_space<vmem>> -> memref<128xi32, #tpu.memory_space<vmem>>
          %dma_wait3A_226 = arith.constant 0 : i32
          %dma_wait3A_227 = arith.constant 0 : i32
          %dma_wait3A_228 = tpu.memref_slice %arg15[%dma_wait3A_226, %dma_wait3A_227] : memref<10016x64xbf16, #tpu.memory_space<vmem_shared>> -> memref<10016x64xbf16, #tpu.memory_space<vmem_shared>>
          tpu.wait_indirect_dma semaphore(%run_scoped3A : memref<!tpu.dma_semaphore, #tpu.memory_space<semaphore_mem>>) src(%arg11 : memref<128x64xbf16, #tpu.memory_space<vmem>>) dst(%dma_wait3A_228 : memref<10016x64xbf16, #tpu.memory_space<vmem_shared>>)
          tpu.yield
        }) : () -> ()
        %eq3A_184 = arith.constant 0 : i32
        %eq3A_185 = arith.cmpi eq, %arg0, %eq3A_184 : i32
        %convert_element_type3A_186 = arith.extui %eq3A_185 : i1 to i32
        %cond3A_187 = arith.constant 0 : i32
        %cond3A_188 = arith.cmpi ne, %convert_element_type3A_186, %cond3A_187 : i32
        scf.if %cond3A_188 {
          "tpu.region"() ({
            %run_scoped3A = tpu.sem_alloc : memref<!tpu.dma_semaphore, #tpu.memory_space<semaphore_mem>>
            %dma_start3A_217 = arith.constant 0 : i32
            %dma_start3A_218 = tpu.memref_slice %arg8[%mul3A_183, %dma_start3A_217] : memref<16x128xi32, #tpu.memory_space<vmem>> -> memref<1x128xi32, #tpu.memory_space<vmem>>
            %dma_start3A_219 = tpu.memref_squeeze %dma_start3A_218 : memref<1x128xi32, #tpu.memory_space<vmem>> -> memref<128xi32, #tpu.memory_space<vmem>>
            %dma_start3A_220 = arith.constant 0 : i32
            %dma_start3A_221 = arith.constant 0 : i32
            %dma_start3A_222 = tpu.memref_slice %arg16[%dma_start3A_220, %dma_start3A_221] : memref<10016x16xf32, #tpu.memory_space<vmem_shared>> -> memref<10016x16xf32, #tpu.memory_space<vmem_shared>>
            tpu.enqueue_indirect_dma source(%arg13 : memref<128x16xf32, #tpu.memory_space<vmem>>) target(%dma_start3A_222 : memref<10016x16xf32, #tpu.memory_space<vmem_shared>>) offsets(%dma_start3A_219 : memref<128xi32, #tpu.memory_space<vmem>>) semaphore(%run_scoped3A : memref<!tpu.dma_semaphore, #tpu.memory_space<semaphore_mem>>) {add = true}
            %dma_wait3A_223 = arith.constant 0 : i32
            %dma_wait3A_224 = tpu.memref_slice %arg8[%mul3A_183, %dma_wait3A_223] : memref<16x128xi32, #tpu.memory_space<vmem>> -> memref<1x128xi32, #tpu.memory_space<vmem>>
            %dma_wait3A_225 = tpu.memref_squeeze %dma_wait3A_224 : memref<1x128xi32, #tpu.memory_space<vmem>> -> memref<128xi32, #tpu.memory_space<vmem>>
            %dma_wait3A_226 = arith.constant 0 : i32
            %dma_wait3A_227 = arith.constant 0 : i32
            %dma_wait3A_228 = tpu.memref_slice %arg16[%dma_wait3A_226, %dma_wait3A_227] : memref<10016x16xf32, #tpu.memory_space<vmem_shared>> -> memref<10016x16xf32, #tpu.memory_space<vmem_shared>>
            tpu.wait_indirect_dma semaphore(%run_scoped3A : memref<!tpu.dma_semaphore, #tpu.memory_space<semaphore_mem>>) src(%arg13 : memref<128x16xf32, #tpu.memory_space<vmem>>) dst(%dma_wait3A_228 : memref<10016x16xf32, #tpu.memory_space<vmem_shared>>)
            tpu.yield
          }) : () -> ()
        } else {
        }
        %mul3A_189 = arith.constant 2 : i32
        %mul3A_190 = arith.muli %mul3A_189, %scan3A_163 : i32
        %add3A_191 = arith.constant 2 : i32
        %add3A_192 = arith.addi %mul3A_190, %add3A_191 : i32
        %lt3A_193 = arith.constant 16 : i32
        %lt3A_194 = arith.cmpi slt, %add3A_192, %lt3A_193 : i32
        %convert_element_type3A_195 = arith.extui %lt3A_194 : i1 to i32
        %cond3A_196 = arith.constant 0 : i32
        %cond3A_197 = arith.cmpi ne, %convert_element_type3A_195, %cond3A_196 : i32
        scf.if %cond3A_197 {
          %mul3A_217 = arith.constant 2 : i32
          %mul3A_218 = arith.muli %mul3A_217, %scan3A_163 : i32
          %add3A_219 = arith.constant 2 : i32
          %add3A_220 = arith.addi %mul3A_218, %add3A_219 : i32
          %dma_start3A_221 = arith.constant 0 : i32
          %dma_start3A_222 = tpu.memref_slice %arg7[%add3A_220, %dma_start3A_221] : memref<16x128xi32, #tpu.memory_space<vmem>> -> memref<1x128xi32, #tpu.memory_space<vmem>>
          %dma_start3A_223 = tpu.memref_squeeze %dma_start3A_222 : memref<1x128xi32, #tpu.memory_space<vmem>> -> memref<128xi32, #tpu.memory_space<vmem>>
          %dma_start3A_224 = arith.constant 0 : i32
          %dma_start3A_225 = arith.constant 0 : i32
          %dma_start3A_226 = tpu.memref_slice %arg14[%dma_start3A_224, %dma_start3A_225] : memref<10016x64xbf16, #tpu.memory_space<vmem_shared>> -> memref<10016x64xbf16, #tpu.memory_space<vmem_shared>>
          tpu.enqueue_indirect_dma source(%dma_start3A_226 : memref<10016x64xbf16, #tpu.memory_space<vmem_shared>>) target(%arg11 : memref<128x64xbf16, #tpu.memory_space<vmem>>) offsets(%dma_start3A_223 : memref<128xi32, #tpu.memory_space<vmem>>) semaphore(%arg19 : memref<!tpu.dma_semaphore, #tpu.memory_space<semaphore_mem>>)
        } else {
        }
        %mul3A_198 = arith.constant 2 : i32
        %mul3A_199 = arith.muli %mul3A_198, %scan3A_163 : i32
        %add3A_200 = arith.constant 1 : i32
        %add3A_201 = arith.addi %mul3A_199, %add3A_200 : i32
        %dma_wait3A_202 = arith.constant 0 : i32
        %dma_wait3A_203 = tpu.memref_slice %arg7[%add3A_201, %dma_wait3A_202] : memref<16x128xi32, #tpu.memory_space<vmem>> -> memref<1x128xi32, #tpu.memory_space<vmem>>
        %dma_wait3A_204 = tpu.memref_squeeze %dma_wait3A_203 : memref<1x128xi32, #tpu.memory_space<vmem>> -> memref<128xi32, #tpu.memory_space<vmem>>
        %dma_wait3A_205 = arith.constant 0 : i32
        %dma_wait3A_206 = arith.constant 0 : i32
        %dma_wait3A_207 = tpu.memref_slice %arg14[%dma_wait3A_205, %dma_wait3A_206] : memref<10016x64xbf16, #tpu.memory_space<vmem_shared>> -> memref<10016x64xbf16, #tpu.memory_space<vmem_shared>>
        tpu.wait_indirect_dma semaphore(%arg20 : memref<!tpu.dma_semaphore, #tpu.memory_space<semaphore_mem>>) src(%dma_wait3A_207 : memref<10016x64xbf16, #tpu.memory_space<vmem_shared>>) dst(%arg12 : memref<128x64xbf16, #tpu.memory_space<vmem>>)
        %mul3A_208 = arith.constant 2 : i32
        %mul3A_209 = arith.muli %mul3A_208, %scan3A_163 : i32
        %add3A_210 = arith.constant 1 : i32
        %add3A_211 = arith.addi %mul3A_209, %add3A_210 : i32
        "tpu.region"() ({
          %run_scoped3A = tpu.sem_alloc : memref<!tpu.dma_semaphore, #tpu.memory_space<semaphore_mem>>
          %dma_start3A_217 = arith.constant 0 : i32
          %dma_start3A_218 = tpu.memref_slice %arg8[%add3A_211, %dma_start3A_217] : memref<16x128xi32, #tpu.memory_space<vmem>> -> memref<1x128xi32, #tpu.memory_space<vmem>>
          %dma_start3A_219 = tpu.memref_squeeze %dma_start3A_218 : memref<1x128xi32, #tpu.memory_space<vmem>> -> memref<128xi32, #tpu.memory_space<vmem>>
          %dma_start3A_220 = arith.constant 0 : i32
          %dma_start3A_221 = arith.constant 0 : i32
          %dma_start3A_222 = tpu.memref_slice %arg15[%dma_start3A_220, %dma_start3A_221] : memref<10016x64xbf16, #tpu.memory_space<vmem_shared>> -> memref<10016x64xbf16, #tpu.memory_space<vmem_shared>>
          tpu.enqueue_indirect_dma source(%arg12 : memref<128x64xbf16, #tpu.memory_space<vmem>>) target(%dma_start3A_222 : memref<10016x64xbf16, #tpu.memory_space<vmem_shared>>) offsets(%dma_start3A_219 : memref<128xi32, #tpu.memory_space<vmem>>) semaphore(%run_scoped3A : memref<!tpu.dma_semaphore, #tpu.memory_space<semaphore_mem>>) {add = true}
          %dma_wait3A_223 = arith.constant 0 : i32
          %dma_wait3A_224 = tpu.memref_slice %arg8[%add3A_211, %dma_wait3A_223] : memref<16x128xi32, #tpu.memory_space<vmem>> -> memref<1x128xi32, #tpu.memory_space<vmem>>
          %dma_wait3A_225 = tpu.memref_squeeze %dma_wait3A_224 : memref<1x128xi32, #tpu.memory_space<vmem>> -> memref<128xi32, #tpu.memory_space<vmem>>
          %dma_wait3A_226 = arith.constant 0 : i32
          %dma_wait3A_227 = arith.constant 0 : i32
          %dma_wait3A_228 = tpu.memref_slice %arg15[%dma_wait3A_226, %dma_wait3A_227] : memref<10016x64xbf16, #tpu.memory_space<vmem_shared>> -> memref<10016x64xbf16, #tpu.memory_space<vmem_shared>>
          tpu.wait_indirect_dma semaphore(%run_scoped3A : memref<!tpu.dma_semaphore, #tpu.memory_space<semaphore_mem>>) src(%arg12 : memref<128x64xbf16, #tpu.memory_space<vmem>>) dst(%dma_wait3A_228 : memref<10016x64xbf16, #tpu.memory_space<vmem_shared>>)
          tpu.yield
        }) : () -> ()
        %eq3A_212 = arith.constant 1 : i32
        %eq3A_213 = arith.cmpi eq, %arg0, %eq3A_212 : i32
        %convert_element_type3A_214 = arith.extui %eq3A_213 : i1 to i32
        %cond3A_215 = arith.constant 0 : i32
        %cond3A_216 = arith.cmpi ne, %convert_element_type3A_214, %cond3A_215 : i32
        scf.if %cond3A_216 {
          "tpu.region"() ({
            %run_scoped3A = tpu.sem_alloc : memref<!tpu.dma_semaphore, #tpu.memory_space<semaphore_mem>>
            %dma_start3A_217 = arith.constant 0 : i32
            %dma_start3A_218 = tpu.memref_slice %arg8[%add3A_211, %dma_start3A_217] : memref<16x128xi32, #tpu.memory_space<vmem>> -> memref<1x128xi32, #tpu.memory_space<vmem>>
            %dma_start3A_219 = tpu.memref_squeeze %dma_start3A_218 : memref<1x128xi32, #tpu.memory_space<vmem>> -> memref<128xi32, #tpu.memory_space<vmem>>
            %dma_start3A_220 = arith.constant 0 : i32
            %dma_start3A_221 = arith.constant 0 : i32
            %dma_start3A_222 = tpu.memref_slice %arg16[%dma_start3A_220, %dma_start3A_221] : memref<10016x16xf32, #tpu.memory_space<vmem_shared>> -> memref<10016x16xf32, #tpu.memory_space<vmem_shared>>
            tpu.enqueue_indirect_dma source(%arg13 : memref<128x16xf32, #tpu.memory_space<vmem>>) target(%dma_start3A_222 : memref<10016x16xf32, #tpu.memory_space<vmem_shared>>) offsets(%dma_start3A_219 : memref<128xi32, #tpu.memory_space<vmem>>) semaphore(%run_scoped3A : memref<!tpu.dma_semaphore, #tpu.memory_space<semaphore_mem>>) {add = true}
            %dma_wait3A_223 = arith.constant 0 : i32
            %dma_wait3A_224 = tpu.memref_slice %arg8[%add3A_211, %dma_wait3A_223] : memref<16x128xi32, #tpu.memory_space<vmem>> -> memref<1x128xi32, #tpu.memory_space<vmem>>
            %dma_wait3A_225 = tpu.memref_squeeze %dma_wait3A_224 : memref<1x128xi32, #tpu.memory_space<vmem>> -> memref<128xi32, #tpu.memory_space<vmem>>
            %dma_wait3A_226 = arith.constant 0 : i32
            %dma_wait3A_227 = arith.constant 0 : i32
            %dma_wait3A_228 = tpu.memref_slice %arg16[%dma_wait3A_226, %dma_wait3A_227] : memref<10016x16xf32, #tpu.memory_space<vmem_shared>> -> memref<10016x16xf32, #tpu.memory_space<vmem_shared>>
            tpu.wait_indirect_dma semaphore(%run_scoped3A : memref<!tpu.dma_semaphore, #tpu.memory_space<semaphore_mem>>) src(%arg13 : memref<128x16xf32, #tpu.memory_space<vmem>>) dst(%dma_wait3A_228 : memref<10016x16xf32, #tpu.memory_space<vmem_shared>>)
            tpu.yield
          }) : () -> ()
        } else {
        }
      }
      %scan3A_126 = arith.constant 8 : i32
      %mul3A_127 = arith.constant 16 : i32
      %mul3A_128 = arith.muli %add3A_82, %mul3A_127 : i32
      %dma_wait3A_129 = arith.constant 0 : i32
      %dma_wait3A_130 = tpu.memref_slice %arg3[%arg1, %mul3A_128, %dma_wait3A_129] : memref<16x160x128xi32, #tpu.memory_space<hbm>> -> memref<1x16x128xi32, #tpu.memory_space<hbm>>
      %dma_wait3A_131 = tpu.memref_squeeze %dma_wait3A_130 : memref<1x16x128xi32, #tpu.memory_space<hbm>> -> memref<16x128xi32, #tpu.memory_space<hbm>>
      %dma_wait3A_132 = arith.constant 0 : i32
      %dma_wait3A_133 = tpu.memref_slice %arg3[%arg1, %mul3A_128, %dma_wait3A_132] : memref<16x160x128xi32, #tpu.memory_space<hbm>> -> memref<1x16x128xi32, #tpu.memory_space<hbm>>
      %dma_wait3A_134 = tpu.memref_squeeze %dma_wait3A_133 : memref<1x16x128xi32, #tpu.memory_space<hbm>> -> memref<16x128xi32, #tpu.memory_space<hbm>>
      tpu.wait_dma2 semaphore(%arg18 : memref<!tpu.dma_semaphore, #tpu.memory_space<semaphore_mem>>) src(%dma_wait3A_134 : memref<16x128xi32, #tpu.memory_space<hbm>>) dst(%arg9 : memref<16x128xi32, #tpu.memory_space<vmem>>)
      %mul3A_135 = arith.constant 16 : i32
      %mul3A_136 = arith.muli %add3A_82, %mul3A_135 : i32
      %dma_wait3A_137 = arith.constant 0 : i32
      %dma_wait3A_138 = tpu.memref_slice %arg4[%arg1, %mul3A_136, %dma_wait3A_137] : memref<16x160x128xi32, #tpu.memory_space<hbm>> -> memref<1x16x128xi32, #tpu.memory_space<hbm>>
      %dma_wait3A_139 = tpu.memref_squeeze %dma_wait3A_138 : memref<1x16x128xi32, #tpu.memory_space<hbm>> -> memref<16x128xi32, #tpu.memory_space<hbm>>
      %dma_wait3A_140 = arith.constant 0 : i32
      %dma_wait3A_141 = tpu.memref_slice %arg4[%arg1, %mul3A_136, %dma_wait3A_140] : memref<16x160x128xi32, #tpu.memory_space<hbm>> -> memref<1x16x128xi32, #tpu.memory_space<hbm>>
      %dma_wait3A_142 = tpu.memref_squeeze %dma_wait3A_141 : memref<1x16x128xi32, #tpu.memory_space<hbm>> -> memref<16x128xi32, #tpu.memory_space<hbm>>
      tpu.wait_dma2 semaphore(%arg18 : memref<!tpu.dma_semaphore, #tpu.memory_space<semaphore_mem>>) src(%dma_wait3A_142 : memref<16x128xi32, #tpu.memory_space<hbm>>) dst(%arg10 : memref<16x128xi32, #tpu.memory_space<vmem>>)
      %add3A_143 = arith.constant 1 : i32
      %add3A_144 = arith.addi %add3A_82, %add3A_143 : i32
      %lt3A_145 = arith.constant 10 : i32
      %lt3A_146 = arith.cmpi slt, %add3A_144, %lt3A_145 : i32
      %convert_element_type3A_147 = arith.extui %lt3A_146 : i1 to i32
      %cond3A_148 = arith.constant 0 : i32
      %cond3A_149 = arith.cmpi ne, %convert_element_type3A_147, %cond3A_148 : i32
      scf.if %cond3A_149 {
        %add3A_163 = arith.constant 1 : i32
        %add3A_164 = arith.addi %add3A_82, %add3A_163 : i32
        %mul3A_165 = arith.constant 16 : i32
        %mul3A_166 = arith.muli %add3A_164, %mul3A_165 : i32
        %dma_start3A_167 = arith.constant 0 : i32
        %dma_start3A_168 = tpu.memref_slice %arg3[%arg1, %mul3A_166, %dma_start3A_167] : memref<16x160x128xi32, #tpu.memory_space<hbm>> -> memref<1x16x128xi32, #tpu.memory_space<hbm>>
        %dma_start3A_169 = tpu.memref_squeeze %dma_start3A_168 : memref<1x16x128xi32, #tpu.memory_space<hbm>> -> memref<16x128xi32, #tpu.memory_space<hbm>>
        %dma_start3A_170 = arith.constant 0 : i32
        %dma_start3A_171 = tpu.memref_slice %arg3[%arg1, %mul3A_166, %dma_start3A_170] : memref<16x160x128xi32, #tpu.memory_space<hbm>> -> memref<1x16x128xi32, #tpu.memory_space<hbm>>
        %dma_start3A_172 = tpu.memref_squeeze %dma_start3A_171 : memref<1x16x128xi32, #tpu.memory_space<hbm>> -> memref<16x128xi32, #tpu.memory_space<hbm>>
        tpu.enqueue_dma source(%dma_start3A_172 : memref<16x128xi32, #tpu.memory_space<hbm>>) target(%arg7 : memref<16x128xi32, #tpu.memory_space<vmem>>) target_semaphore(%arg17 : memref<!tpu.dma_semaphore, #tpu.memory_space<semaphore_mem>>)
        %mul3A_173 = arith.constant 16 : i32
        %mul3A_174 = arith.muli %add3A_164, %mul3A_173 : i32
        %dma_start3A_175 = arith.constant 0 : i32
        %dma_start3A_176 = tpu.memref_slice %arg4[%arg1, %mul3A_174, %dma_start3A_175] : memref<16x160x128xi32, #tpu.memory_space<hbm>> -> memref<1x16x128xi32, #tpu.memory_space<hbm>>
        %dma_start3A_177 = tpu.memref_squeeze %dma_start3A_176 : memref<1x16x128xi32, #tpu.memory_space<hbm>> -> memref<16x128xi32, #tpu.memory_space<hbm>>
        %dma_start3A_178 = arith.constant 0 : i32
        %dma_start3A_179 = tpu.memref_slice %arg4[%arg1, %mul3A_174, %dma_start3A_178] : memref<16x160x128xi32, #tpu.memory_space<hbm>> -> memref<1x16x128xi32, #tpu.memory_space<hbm>>
        %dma_start3A_180 = tpu.memref_squeeze %dma_start3A_179 : memref<1x16x128xi32, #tpu.memory_space<hbm>> -> memref<16x128xi32, #tpu.memory_space<hbm>>
        tpu.enqueue_dma source(%dma_start3A_180 : memref<16x128xi32, #tpu.memory_space<hbm>>) target(%arg8 : memref<16x128xi32, #tpu.memory_space<vmem>>) target_semaphore(%arg17 : memref<!tpu.dma_semaphore, #tpu.memory_space<semaphore_mem>>)
      } else {
      }
      %dma_start3A_150 = arith.constant 0 : i32
      %dma_start3A_151 = arith.constant 0 : i32
      %dma_start3A_152 = tpu.memref_slice %arg9[%dma_start3A_150, %dma_start3A_151] : memref<16x128xi32, #tpu.memory_space<vmem>> -> memref<1x128xi32, #tpu.memory_space<vmem>>
      %dma_start3A_153 = tpu.memref_squeeze %dma_start3A_152 : memref<1x128xi32, #tpu.memory_space<vmem>> -> memref<128xi32, #tpu.memory_space<vmem>>
      %dma_start3A_154 = arith.constant 0 : i32
      %dma_start3A_155 = arith.constant 0 : i32
      %dma_start3A_156 = tpu.memref_slice %arg14[%dma_start3A_154, %dma_start3A_155] : memref<10016x64xbf16, #tpu.memory_space<vmem_shared>> -> memref<10016x64xbf16, #tpu.memory_space<vmem_shared>>
      tpu.enqueue_indirect_dma source(%dma_start3A_156 : memref<10016x64xbf16, #tpu.memory_space<vmem_shared>>) target(%arg11 : memref<128x64xbf16, #tpu.memory_space<vmem>>) offsets(%dma_start3A_153 : memref<128xi32, #tpu.memory_space<vmem>>) semaphore(%arg19 : memref<!tpu.dma_semaphore, #tpu.memory_space<semaphore_mem>>)
      %scan3A_157 = arith.constant 0 : i32
      %scan3A_158 = arith.constant 0 : i32
      %scan3A_159 = arith.constant 8 : i32
      %scan3A_160 = arith.addi %scan3A_158, %scan3A_159 : i32
      %scan3A_161 = arith.constant 1 : i32
      scf.for %scan3A_163 = %scan3A_158 to %scan3A_160 step %scan3A_161  : i32 {
        %mul3A_164 = arith.constant 2 : i32
        %mul3A_165 = arith.muli %mul3A_164, %scan3A_163 : i32
        %add3A_166 = arith.constant 1 : i32
        %add3A_167 = arith.addi %mul3A_165, %add3A_166 : i32
        %dma_start3A_168 = arith.constant 0 : i32
        %dma_start3A_169 = tpu.memref_slice %arg9[%add3A_167, %dma_start3A_168] : memref<16x128xi32, #tpu.memory_space<vmem>> -> memref<1x128xi32, #tpu.memory_space<vmem>>
        %dma_start3A_170 = tpu.memref_squeeze %dma_start3A_169 : memref<1x128xi32, #tpu.memory_space<vmem>> -> memref<128xi32, #tpu.memory_space<vmem>>
        %dma_start3A_171 = arith.constant 0 : i32
        %dma_start3A_172 = arith.constant 0 : i32
        %dma_start3A_173 = tpu.memref_slice %arg14[%dma_start3A_171, %dma_start3A_172] : memref<10016x64xbf16, #tpu.memory_space<vmem_shared>> -> memref<10016x64xbf16, #tpu.memory_space<vmem_shared>>
        tpu.enqueue_indirect_dma source(%dma_start3A_173 : memref<10016x64xbf16, #tpu.memory_space<vmem_shared>>) target(%arg12 : memref<128x64xbf16, #tpu.memory_space<vmem>>) offsets(%dma_start3A_170 : memref<128xi32, #tpu.memory_space<vmem>>) semaphore(%arg20 : memref<!tpu.dma_semaphore, #tpu.memory_space<semaphore_mem>>)
        %mul3A_174 = arith.constant 2 : i32
        %mul3A_175 = arith.muli %mul3A_174, %scan3A_163 : i32
        %dma_wait3A_176 = arith.constant 0 : i32
        %dma_wait3A_177 = tpu.memref_slice %arg9[%mul3A_175, %dma_wait3A_176] : memref<16x128xi32, #tpu.memory_space<vmem>> -> memref<1x128xi32, #tpu.memory_space<vmem>>
        %dma_wait3A_178 = tpu.memref_squeeze %dma_wait3A_177 : memref<1x128xi32, #tpu.memory_space<vmem>> -> memref<128xi32, #tpu.memory_space<vmem>>
        %dma_wait3A_179 = arith.constant 0 : i32
        %dma_wait3A_180 = arith.constant 0 : i32
        %dma_wait3A_181 = tpu.memref_slice %arg14[%dma_wait3A_179, %dma_wait3A_180] : memref<10016x64xbf16, #tpu.memory_space<vmem_shared>> -> memref<10016x64xbf16, #tpu.memory_space<vmem_shared>>
        tpu.wait_indirect_dma semaphore(%arg19 : memref<!tpu.dma_semaphore, #tpu.memory_space<semaphore_mem>>) src(%dma_wait3A_181 : memref<10016x64xbf16, #tpu.memory_space<vmem_shared>>) dst(%arg11 : memref<128x64xbf16, #tpu.memory_space<vmem>>)
        %mul3A_182 = arith.constant 2 : i32
        %mul3A_183 = arith.muli %mul3A_182, %scan3A_163 : i32
        "tpu.region"() ({
          %run_scoped3A = tpu.sem_alloc : memref<!tpu.dma_semaphore, #tpu.memory_space<semaphore_mem>>
          %dma_start3A_217 = arith.constant 0 : i32
          %dma_start3A_218 = tpu.memref_slice %arg10[%mul3A_183, %dma_start3A_217] : memref<16x128xi32, #tpu.memory_space<vmem>> -> memref<1x128xi32, #tpu.memory_space<vmem>>
          %dma_start3A_219 = tpu.memref_squeeze %dma_start3A_218 : memref<1x128xi32, #tpu.memory_space<vmem>> -> memref<128xi32, #tpu.memory_space<vmem>>
          %dma_start3A_220 = arith.constant 0 : i32
          %dma_start3A_221 = arith.constant 0 : i32
          %dma_start3A_222 = tpu.memref_slice %arg15[%dma_start3A_220, %dma_start3A_221] : memref<10016x64xbf16, #tpu.memory_space<vmem_shared>> -> memref<10016x64xbf16, #tpu.memory_space<vmem_shared>>
          tpu.enqueue_indirect_dma source(%arg11 : memref<128x64xbf16, #tpu.memory_space<vmem>>) target(%dma_start3A_222 : memref<10016x64xbf16, #tpu.memory_space<vmem_shared>>) offsets(%dma_start3A_219 : memref<128xi32, #tpu.memory_space<vmem>>) semaphore(%run_scoped3A : memref<!tpu.dma_semaphore, #tpu.memory_space<semaphore_mem>>) {add = true}
          %dma_wait3A_223 = arith.constant 0 : i32
          %dma_wait3A_224 = tpu.memref_slice %arg10[%mul3A_183, %dma_wait3A_223] : memref<16x128xi32, #tpu.memory_space<vmem>> -> memref<1x128xi32, #tpu.memory_space<vmem>>
          %dma_wait3A_225 = tpu.memref_squeeze %dma_wait3A_224 : memref<1x128xi32, #tpu.memory_space<vmem>> -> memref<128xi32, #tpu.memory_space<vmem>>
          %dma_wait3A_226 = arith.constant 0 : i32
          %dma_wait3A_227 = arith.constant 0 : i32
          %dma_wait3A_228 = tpu.memref_slice %arg15[%dma_wait3A_226, %dma_wait3A_227] : memref<10016x64xbf16, #tpu.memory_space<vmem_shared>> -> memref<10016x64xbf16, #tpu.memory_space<vmem_shared>>
          tpu.wait_indirect_dma semaphore(%run_scoped3A : memref<!tpu.dma_semaphore, #tpu.memory_space<semaphore_mem>>) src(%arg11 : memref<128x64xbf16, #tpu.memory_space<vmem>>) dst(%dma_wait3A_228 : memref<10016x64xbf16, #tpu.memory_space<vmem_shared>>)
          tpu.yield
        }) : () -> ()
        %eq3A_184 = arith.constant 0 : i32
        %eq3A_185 = arith.cmpi eq, %arg0, %eq3A_184 : i32
        %convert_element_type3A_186 = arith.extui %eq3A_185 : i1 to i32
        %cond3A_187 = arith.constant 0 : i32
        %cond3A_188 = arith.cmpi ne, %convert_element_type3A_186, %cond3A_187 : i32
        scf.if %cond3A_188 {
          "tpu.region"() ({
            %run_scoped3A = tpu.sem_alloc : memref<!tpu.dma_semaphore, #tpu.memory_space<semaphore_mem>>
            %dma_start3A_217 = arith.constant 0 : i32
            %dma_start3A_218 = tpu.memref_slice %arg10[%mul3A_183, %dma_start3A_217] : memref<16x128xi32, #tpu.memory_space<vmem>> -> memref<1x128xi32, #tpu.memory_space<vmem>>
            %dma_start3A_219 = tpu.memref_squeeze %dma_start3A_218 : memref<1x128xi32, #tpu.memory_space<vmem>> -> memref<128xi32, #tpu.memory_space<vmem>>
            %dma_start3A_220 = arith.constant 0 : i32
            %dma_start3A_221 = arith.constant 0 : i32
            %dma_start3A_222 = tpu.memref_slice %arg16[%dma_start3A_220, %dma_start3A_221] : memref<10016x16xf32, #tpu.memory_space<vmem_shared>> -> memref<10016x16xf32, #tpu.memory_space<vmem_shared>>
            tpu.enqueue_indirect_dma source(%arg13 : memref<128x16xf32, #tpu.memory_space<vmem>>) target(%dma_start3A_222 : memref<10016x16xf32, #tpu.memory_space<vmem_shared>>) offsets(%dma_start3A_219 : memref<128xi32, #tpu.memory_space<vmem>>) semaphore(%run_scoped3A : memref<!tpu.dma_semaphore, #tpu.memory_space<semaphore_mem>>) {add = true}
            %dma_wait3A_223 = arith.constant 0 : i32
            %dma_wait3A_224 = tpu.memref_slice %arg10[%mul3A_183, %dma_wait3A_223] : memref<16x128xi32, #tpu.memory_space<vmem>> -> memref<1x128xi32, #tpu.memory_space<vmem>>
            %dma_wait3A_225 = tpu.memref_squeeze %dma_wait3A_224 : memref<1x128xi32, #tpu.memory_space<vmem>> -> memref<128xi32, #tpu.memory_space<vmem>>
            %dma_wait3A_226 = arith.constant 0 : i32
            %dma_wait3A_227 = arith.constant 0 : i32
            %dma_wait3A_228 = tpu.memref_slice %arg16[%dma_wait3A_226, %dma_wait3A_227] : memref<10016x16xf32, #tpu.memory_space<vmem_shared>> -> memref<10016x16xf32, #tpu.memory_space<vmem_shared>>
            tpu.wait_indirect_dma semaphore(%run_scoped3A : memref<!tpu.dma_semaphore, #tpu.memory_space<semaphore_mem>>) src(%arg13 : memref<128x16xf32, #tpu.memory_space<vmem>>) dst(%dma_wait3A_228 : memref<10016x16xf32, #tpu.memory_space<vmem_shared>>)
            tpu.yield
          }) : () -> ()
        } else {
        }
        %mul3A_189 = arith.constant 2 : i32
        %mul3A_190 = arith.muli %mul3A_189, %scan3A_163 : i32
        %add3A_191 = arith.constant 2 : i32
        %add3A_192 = arith.addi %mul3A_190, %add3A_191 : i32
        %lt3A_193 = arith.constant 16 : i32
        %lt3A_194 = arith.cmpi slt, %add3A_192, %lt3A_193 : i32
        %convert_element_type3A_195 = arith.extui %lt3A_194 : i1 to i32
        %cond3A_196 = arith.constant 0 : i32
        %cond3A_197 = arith.cmpi ne, %convert_element_type3A_195, %cond3A_196 : i32
        scf.if %cond3A_197 {
          %mul3A_217 = arith.constant 2 : i32
          %mul3A_218 = arith.muli %mul3A_217, %scan3A_163 : i32
          %add3A_219 = arith.constant 2 : i32
          %add3A_220 = arith.addi %mul3A_218, %add3A_219 : i32
          %dma_start3A_221 = arith.constant 0 : i32
          %dma_start3A_222 = tpu.memref_slice %arg9[%add3A_220, %dma_start3A_221] : memref<16x128xi32, #tpu.memory_space<vmem>> -> memref<1x128xi32, #tpu.memory_space<vmem>>
          %dma_start3A_223 = tpu.memref_squeeze %dma_start3A_222 : memref<1x128xi32, #tpu.memory_space<vmem>> -> memref<128xi32, #tpu.memory_space<vmem>>
          %dma_start3A_224 = arith.constant 0 : i32
          %dma_start3A_225 = arith.constant 0 : i32
          %dma_start3A_226 = tpu.memref_slice %arg14[%dma_start3A_224, %dma_start3A_225] : memref<10016x64xbf16, #tpu.memory_space<vmem_shared>> -> memref<10016x64xbf16, #tpu.memory_space<vmem_shared>>
          tpu.enqueue_indirect_dma source(%dma_start3A_226 : memref<10016x64xbf16, #tpu.memory_space<vmem_shared>>) target(%arg11 : memref<128x64xbf16, #tpu.memory_space<vmem>>) offsets(%dma_start3A_223 : memref<128xi32, #tpu.memory_space<vmem>>) semaphore(%arg19 : memref<!tpu.dma_semaphore, #tpu.memory_space<semaphore_mem>>)
        } else {
        }
        %mul3A_198 = arith.constant 2 : i32
        %mul3A_199 = arith.muli %mul3A_198, %scan3A_163 : i32
        %add3A_200 = arith.constant 1 : i32
        %add3A_201 = arith.addi %mul3A_199, %add3A_200 : i32
        %dma_wait3A_202 = arith.constant 0 : i32
        %dma_wait3A_203 = tpu.memref_slice %arg9[%add3A_201, %dma_wait3A_202] : memref<16x128xi32, #tpu.memory_space<vmem>> -> memref<1x128xi32, #tpu.memory_space<vmem>>
        %dma_wait3A_204 = tpu.memref_squeeze %dma_wait3A_203 : memref<1x128xi32, #tpu.memory_space<vmem>> -> memref<128xi32, #tpu.memory_space<vmem>>
        %dma_wait3A_205 = arith.constant 0 : i32
        %dma_wait3A_206 = arith.constant 0 : i32
        %dma_wait3A_207 = tpu.memref_slice %arg14[%dma_wait3A_205, %dma_wait3A_206] : memref<10016x64xbf16, #tpu.memory_space<vmem_shared>> -> memref<10016x64xbf16, #tpu.memory_space<vmem_shared>>
        tpu.wait_indirect_dma semaphore(%arg20 : memref<!tpu.dma_semaphore, #tpu.memory_space<semaphore_mem>>) src(%dma_wait3A_207 : memref<10016x64xbf16, #tpu.memory_space<vmem_shared>>) dst(%arg12 : memref<128x64xbf16, #tpu.memory_space<vmem>>)
        %mul3A_208 = arith.constant 2 : i32
        %mul3A_209 = arith.muli %mul3A_208, %scan3A_163 : i32
        %add3A_210 = arith.constant 1 : i32
        %add3A_211 = arith.addi %mul3A_209, %add3A_210 : i32
        "tpu.region"() ({
          %run_scoped3A = tpu.sem_alloc : memref<!tpu.dma_semaphore, #tpu.memory_space<semaphore_mem>>
          %dma_start3A_217 = arith.constant 0 : i32
          %dma_start3A_218 = tpu.memref_slice %arg10[%add3A_211, %dma_start3A_217] : memref<16x128xi32, #tpu.memory_space<vmem>> -> memref<1x128xi32, #tpu.memory_space<vmem>>
          %dma_start3A_219 = tpu.memref_squeeze %dma_start3A_218 : memref<1x128xi32, #tpu.memory_space<vmem>> -> memref<128xi32, #tpu.memory_space<vmem>>
          %dma_start3A_220 = arith.constant 0 : i32
          %dma_start3A_221 = arith.constant 0 : i32
          %dma_start3A_222 = tpu.memref_slice %arg15[%dma_start3A_220, %dma_start3A_221] : memref<10016x64xbf16, #tpu.memory_space<vmem_shared>> -> memref<10016x64xbf16, #tpu.memory_space<vmem_shared>>
          tpu.enqueue_indirect_dma source(%arg12 : memref<128x64xbf16, #tpu.memory_space<vmem>>) target(%dma_start3A_222 : memref<10016x64xbf16, #tpu.memory_space<vmem_shared>>) offsets(%dma_start3A_219 : memref<128xi32, #tpu.memory_space<vmem>>) semaphore(%run_scoped3A : memref<!tpu.dma_semaphore, #tpu.memory_space<semaphore_mem>>) {add = true}
          %dma_wait3A_223 = arith.constant 0 : i32
          %dma_wait3A_224 = tpu.memref_slice %arg10[%add3A_211, %dma_wait3A_223] : memref<16x128xi32, #tpu.memory_space<vmem>> -> memref<1x128xi32, #tpu.memory_space<vmem>>
          %dma_wait3A_225 = tpu.memref_squeeze %dma_wait3A_224 : memref<1x128xi32, #tpu.memory_space<vmem>> -> memref<128xi32, #tpu.memory_space<vmem>>
          %dma_wait3A_226 = arith.constant 0 : i32
          %dma_wait3A_227 = arith.constant 0 : i32
          %dma_wait3A_228 = tpu.memref_slice %arg15[%dma_wait3A_226, %dma_wait3A_227] : memref<10016x64xbf16, #tpu.memory_space<vmem_shared>> -> memref<10016x64xbf16, #tpu.memory_space<vmem_shared>>
          tpu.wait_indirect_dma semaphore(%run_scoped3A : memref<!tpu.dma_semaphore, #tpu.memory_space<semaphore_mem>>) src(%arg12 : memref<128x64xbf16, #tpu.memory_space<vmem>>) dst(%dma_wait3A_228 : memref<10016x64xbf16, #tpu.memory_space<vmem_shared>>)
          tpu.yield
        }) : () -> ()
        %eq3A_212 = arith.constant 1 : i32
        %eq3A_213 = arith.cmpi eq, %arg0, %eq3A_212 : i32
        %convert_element_type3A_214 = arith.extui %eq3A_213 : i1 to i32
        %cond3A_215 = arith.constant 0 : i32
        %cond3A_216 = arith.cmpi ne, %convert_element_type3A_214, %cond3A_215 : i32
        scf.if %cond3A_216 {
          "tpu.region"() ({
            %run_scoped3A = tpu.sem_alloc : memref<!tpu.dma_semaphore, #tpu.memory_space<semaphore_mem>>
            %dma_start3A_217 = arith.constant 0 : i32
            %dma_start3A_218 = tpu.memref_slice %arg10[%add3A_211, %dma_start3A_217] : memref<16x128xi32, #tpu.memory_space<vmem>> -> memref<1x128xi32, #tpu.memory_space<vmem>>
            %dma_start3A_219 = tpu.memref_squeeze %dma_start3A_218 : memref<1x128xi32, #tpu.memory_space<vmem>> -> memref<128xi32, #tpu.memory_space<vmem>>
            %dma_start3A_220 = arith.constant 0 : i32
            %dma_start3A_221 = arith.constant 0 : i32
            %dma_start3A_222 = tpu.memref_slice %arg16[%dma_start3A_220, %dma_start3A_221] : memref<10016x16xf32, #tpu.memory_space<vmem_shared>> -> memref<10016x16xf32, #tpu.memory_space<vmem_shared>>
            tpu.enqueue_indirect_dma source(%arg13 : memref<128x16xf32, #tpu.memory_space<vmem>>) target(%dma_start3A_222 : memref<10016x16xf32, #tpu.memory_space<vmem_shared>>) offsets(%dma_start3A_219 : memref<128xi32, #tpu.memory_space<vmem>>) semaphore(%run_scoped3A : memref<!tpu.dma_semaphore, #tpu.memory_space<semaphore_mem>>) {add = true}
            %dma_wait3A_223 = arith.constant 0 : i32
            %dma_wait3A_224 = tpu.memref_slice %arg10[%add3A_211, %dma_wait3A_223] : memref<16x128xi32, #tpu.memory_space<vmem>> -> memref<1x128xi32, #tpu.memory_space<vmem>>
            %dma_wait3A_225 = tpu.memref_squeeze %dma_wait3A_224 : memref<1x128xi32, #tpu.memory_space<vmem>> -> memref<128xi32, #tpu.memory_space<vmem>>
            %dma_wait3A_226 = arith.constant 0 : i32
            %dma_wait3A_227 = arith.constant 0 : i32
            %dma_wait3A_228 = tpu.memref_slice %arg16[%dma_wait3A_226, %dma_wait3A_227] : memref<10016x16xf32, #tpu.memory_space<vmem_shared>> -> memref<10016x16xf32, #tpu.memory_space<vmem_shared>>
            tpu.wait_indirect_dma semaphore(%run_scoped3A : memref<!tpu.dma_semaphore, #tpu.memory_space<semaphore_mem>>) src(%arg13 : memref<128x16xf32, #tpu.memory_space<vmem>>) dst(%dma_wait3A_228 : memref<10016x16xf32, #tpu.memory_space<vmem_shared>>)
            tpu.yield
          }) : () -> ()
        } else {
        }
      }
      %scan3A_162 = arith.constant 8 : i32
    }
    %scan3A_72 = arith.constant 5 : i32
    %barrier3A_73 = arith.constant 0 : index
    tpu.barrier barrier_id(%barrier3A_73)
    %mul3A_74 = arith.constant 626 : i32
    %mul3A_75 = arith.muli %arg1, %mul3A_74 : i32
    "tpu.region"() ({
      %run_scoped3A = tpu.sem_alloc : memref<!tpu.dma_semaphore, #tpu.memory_space<semaphore_mem>>
      %dma_start3A_76 = tpu.memref_slice %arg5[%mul3A_75, %mul3A_0] : memref<10016x128xbf16, #tpu.memory_space<hbm>> -> memref<626x64xbf16, #tpu.memory_space<hbm>>
      %dma_start3A_77 = arith.constant 0 : i32
      %dma_start3A_78 = tpu.memref_slice %arg15[%mul3A_75, %dma_start3A_77] : memref<10016x64xbf16, #tpu.memory_space<vmem_shared>> -> memref<626x64xbf16, #tpu.memory_space<vmem_shared>>
      tpu.enqueue_dma source(%dma_start3A_78 : memref<626x64xbf16, #tpu.memory_space<vmem_shared>>) target(%dma_start3A_76 : memref<626x64xbf16, #tpu.memory_space<hbm>>) target_semaphore(%run_scoped3A : memref<!tpu.dma_semaphore, #tpu.memory_space<semaphore_mem>>)
      %dma_wait3A = tpu.memref_slice %arg5[%mul3A_75, %mul3A_0] : memref<10016x128xbf16, #tpu.memory_space<hbm>> -> memref<626x64xbf16, #tpu.memory_space<hbm>>
      %dma_wait3A_79 = arith.constant 0 : i32
      %dma_wait3A_80 = tpu.memref_slice %arg15[%mul3A_75, %dma_wait3A_79] : memref<10016x64xbf16, #tpu.memory_space<vmem_shared>> -> memref<626x64xbf16, #tpu.memory_space<vmem_shared>>
      tpu.wait_dma2 semaphore(%run_scoped3A : memref<!tpu.dma_semaphore, #tpu.memory_space<semaphore_mem>>) src(%dma_wait3A_80 : memref<626x64xbf16, #tpu.memory_space<vmem_shared>>) dst(%dma_wait3A : memref<626x64xbf16, #tpu.memory_space<hbm>>)
      tpu.yield
    }) : () -> ()
    "tpu.region"() ({
      %run_scoped3A = tpu.sem_alloc : memref<!tpu.dma_semaphore, #tpu.memory_space<semaphore_mem>>
      %dma_start3A_76 = arith.constant 0 : i32
      %dma_start3A_77 = tpu.memref_slice %arg6[%arg0, %mul3A_75, %dma_start3A_76] : memref<2x10016x16xf32, #tpu.memory_space<hbm>> -> memref<1x626x16xf32, #tpu.memory_space<hbm>>
      %dma_start3A_78 = tpu.memref_squeeze %dma_start3A_77 : memref<1x626x16xf32, #tpu.memory_space<hbm>> -> memref<626x16xf32, #tpu.memory_space<hbm>>
      %dma_start3A_79 = arith.constant 0 : i32
      %dma_start3A_80 = tpu.memref_slice %arg16[%mul3A_75, %dma_start3A_79] : memref<10016x16xf32, #tpu.memory_space<vmem_shared>> -> memref<626x16xf32, #tpu.memory_space<vmem_shared>>
      tpu.enqueue_dma source(%dma_start3A_80 : memref<626x16xf32, #tpu.memory_space<vmem_shared>>) target(%dma_start3A_78 : memref<626x16xf32, #tpu.memory_space<hbm>>) target_semaphore(%run_scoped3A : memref<!tpu.dma_semaphore, #tpu.memory_space<semaphore_mem>>)
      %dma_wait3A = arith.constant 0 : i32
      %dma_wait3A_81 = tpu.memref_slice %arg6[%arg0, %mul3A_75, %dma_wait3A] : memref<2x10016x16xf32, #tpu.memory_space<hbm>> -> memref<1x626x16xf32, #tpu.memory_space<hbm>>
      %dma_wait3A_82 = tpu.memref_squeeze %dma_wait3A_81 : memref<1x626x16xf32, #tpu.memory_space<hbm>> -> memref<626x16xf32, #tpu.memory_space<hbm>>
      %dma_wait3A_83 = arith.constant 0 : i32
      %dma_wait3A_84 = tpu.memref_slice %arg16[%mul3A_75, %dma_wait3A_83] : memref<10016x16xf32, #tpu.memory_space<vmem_shared>> -> memref<626x16xf32, #tpu.memory_space<vmem_shared>>
      tpu.wait_dma2 semaphore(%run_scoped3A : memref<!tpu.dma_semaphore, #tpu.memory_space<semaphore_mem>>) src(%dma_wait3A_84 : memref<626x16xf32, #tpu.memory_space<vmem_shared>>) dst(%dma_wait3A_82 : memref<626x16xf32, #tpu.memory_space<hbm>>)
      tpu.yield
    }) : () -> ()
    return
  }
}

module attributes {stable_mosaic.version = 14 : i64} {
  func.func @_layerB_body(%arg0: i32, %arg1: memref<1000x128xbf16, #tpu.memory_space<vmem>>, %arg2: memref<1000x128xbf16, #tpu.memory_space<vmem>>, %arg3: memref<2x1000x16xf32, #tpu.memory_space<vmem>>, %arg4: memref<128x128xf32, #tpu.memory_space<vmem>>, %arg5: memref<128x128xf32, #tpu.memory_space<vmem>>, %arg6: memref<128xf32, #tpu.memory_space<vmem>>, %arg7: memref<128x40xf32, #tpu.memory_space<vmem>>, %arg8: memref<128x40xf32, #tpu.memory_space<vmem>>, %arg9: memref<40xf32, #tpu.memory_space<vmem>>, %arg10: memref<1000x48xbf16, #tpu.memory_space<vmem>>, %arg11: memref<1000x48xbf16, #tpu.memory_space<vmem>>) attributes {dimension_semantics = [#tpu.dimension_semantics<arbitrary>], iteration_bounds = array<i64: 10>, scalar_prefetch = 0 : i64, scratch_operands = 0 : i64, tpu.core_type = #tpu.core_type<tc>, window_params = [{transform_indices = @transform_0, window_bounds = array<i64: 1000, 128>}, {transform_indices = @transform_1, window_bounds = array<i64: 1000, 128>}, {transform_indices = @transform_2, window_bounds = array<i64: 2, 1000, 16>}, {pipeline_mode = #tpu.pipeline_mode<synchronous>, transform_indices = @transform_3, window_bounds = array<i64: 128, 128>}, {pipeline_mode = #tpu.pipeline_mode<synchronous>, transform_indices = @transform_4, window_bounds = array<i64: 128, 128>}, {pipeline_mode = #tpu.pipeline_mode<synchronous>, transform_indices = @transform_5, window_bounds = array<i64: 128>}, {pipeline_mode = #tpu.pipeline_mode<synchronous>, transform_indices = @transform_6, window_bounds = array<i64: 128, 40>}, {pipeline_mode = #tpu.pipeline_mode<synchronous>, transform_indices = @transform_7, window_bounds = array<i64: 128, 40>}, {pipeline_mode = #tpu.pipeline_mode<synchronous>, transform_indices = @transform_8, window_bounds = array<i64: 40>}, {transform_indices = @transform_9, window_bounds = array<i64: 1000, 48>}, {transform_indices = @transform_10, window_bounds = array<i64: 1000, 48>}]} {
    %get3A = arith.constant 0 : index
    %get3A_0 = arith.constant 0 : index
    %get3A_1 = vector.load %arg2[%get3A, %get3A_0] : memref<1000x128xbf16, #tpu.memory_space<vmem>>, vector<1000x128xbf16>
    %convert_element_type3A = arith.extf %get3A_1 : vector<1000x128xbf16> to vector<1000x128xf32>
    %get3A_2 = arith.constant 0 : index
    %get3A_3 = arith.constant 0 : index
    %get3A_4 = arith.constant 0 : index
    %get3A_5 = vector.load %arg3[%get3A_2, %get3A_3, %get3A_4] : memref<2x1000x16xf32, #tpu.memory_space<vmem>>, vector<1x1000x1xf32>
    %get3A_6 = vector.shape_cast %get3A_5 : vector<1x1000x1xf32> to vector<1000x1xf32>
    %get3A_7 = arith.constant 1 : index
    %get3A_8 = arith.constant 0 : index
    %get3A_9 = arith.constant 0 : index
    %get3A_10 = vector.load %arg3[%get3A_7, %get3A_8, %get3A_9] : memref<2x1000x16xf32, #tpu.memory_space<vmem>>, vector<1x1000x1xf32>
    %get3A_11 = vector.shape_cast %get3A_10 : vector<1x1000x1xf32> to vector<1000x1xf32>
    %add3A = arith.addf %get3A_6, %get3A_11 : vector<1000x1xf32>
    %max3A = arith.constant 1.000000e+00 : f32
    %max3A_12 = vector.broadcast %max3A : f32 to vector<1000x1xf32>
    %max3A_13 = arith.maximumf %add3A, %max3A_12 : vector<1000x1xf32>
    %div3A = arith.constant 1.000000e+00 : f32
    %div3A_14 = vector.broadcast %div3A : f32 to vector<1000x1xf32>
    %div3A_15 = arith.divf %div3A_14, %max3A_13 : vector<1000x1xf32>
    %mul3A = vector.broadcast %div3A_15 : vector<1000x1xf32> to vector<1000x128xf32>
    %mul3A_16 = arith.mulf %convert_element_type3A, %mul3A : vector<1000x128xf32>
    %get3A_17 = arith.constant 0 : index
    %get3A_18 = arith.constant 0 : index
    %get3A_19 = vector.load %arg5[%get3A_17, %get3A_18] : memref<128x128xf32, #tpu.memory_space<vmem>>, vector<128x128xf32>
    %dot_general3A = arith.constant dense<0.000000e+00> : vector<1000x128xf32>
    %dot_general3A_20 = tpu.matmul %mul3A_16, %get3A_19, %dot_general3A {dimension_numbers = #tpu.dot_dimension_numbers<[1], [0], [0], [1], [0, 0, 1, 1], [], []>, transpose_lhs_hint = false} : vector<1000x128xf32>, vector<128x128xf32>, vector<1000x128xf32> -> vector<1000x128xf32>
    %get3A_21 = arith.constant 0 : index
    %get3A_22 = arith.constant 0 : index
    %get3A_23 = vector.load %arg1[%get3A_21, %get3A_22] : memref<1000x128xbf16, #tpu.memory_space<vmem>>, vector<1000x128xbf16>
    %get3A_24 = arith.constant 0 : index
    %get3A_25 = arith.constant 0 : index
    %get3A_26 = vector.load %arg4[%get3A_24, %get3A_25] : memref<128x128xf32, #tpu.memory_space<vmem>>, vector<128x128xf32>
    %convert_element_type3A_27 = arith.truncf %get3A_26 : vector<128x128xf32> to vector<128x128xbf16>
    %dot_general3A_28 = arith.constant dense<0.000000e+00> : vector<1000x128xf32>
    %dot_general3A_29 = tpu.matmul %get3A_23, %convert_element_type3A_27, %dot_general3A_28 {dimension_numbers = #tpu.dot_dimension_numbers<[1], [0], [0], [1], [0, 0, 1, 1], [], []>, transpose_lhs_hint = false} : vector<1000x128xbf16>, vector<128x128xbf16>, vector<1000x128xf32> -> vector<1000x128xf32>
    %add3A_30 = arith.addf %dot_general3A_29, %dot_general3A_20 : vector<1000x128xf32>
    %get3A_31 = arith.constant 0 : index
    %get3A_32 = vector.load %arg6[%get3A_31] : memref<128xf32, #tpu.memory_space<vmem>>, vector<128xf32>
    %broadcast_in_dim3A = vector.shape_cast %get3A_32 : vector<128xf32> to vector<1x128xf32>
    %add3A_33 = vector.broadcast %broadcast_in_dim3A : vector<1x128xf32> to vector<1000x128xf32>
    %add3A_34 = arith.addf %add3A_30, %add3A_33 : vector<1000x128xf32>
    %max3A_35 = arith.constant 0.000000e+00 : f32
    %max3A_36 = vector.broadcast %max3A_35 : f32 to vector<1000x128xf32>
    %max3A_37 = arith.maximumf %add3A_34, %max3A_36 : vector<1000x128xf32>
    %get3A_38 = arith.constant 0 : index
    %get3A_39 = arith.constant 0 : index
    %get3A_40 = vector.load %arg8[%get3A_38, %get3A_39] : memref<128x40xf32, #tpu.memory_space<vmem>>, vector<128x40xf32>
    %dot_general3A_41 = arith.constant dense<0.000000e+00> : vector<1000x40xf32>
    %dot_general3A_42 = tpu.matmul %max3A_37, %get3A_40, %dot_general3A_41 {dimension_numbers = #tpu.dot_dimension_numbers<[1], [0], [0], [1], [0, 0, 1, 1], [], []>, transpose_lhs_hint = false} : vector<1000x128xf32>, vector<128x40xf32>, vector<1000x40xf32> -> vector<1000x40xf32>
    %get3A_43 = arith.constant 0 : index
    %get3A_44 = arith.constant 0 : index
    %get3A_45 = vector.load %arg7[%get3A_43, %get3A_44] : memref<128x40xf32, #tpu.memory_space<vmem>>, vector<128x40xf32>
    %dot_general3A_46 = arith.constant dense<0.000000e+00> : vector<1000x40xf32>
    %dot_general3A_47 = tpu.matmul %max3A_37, %get3A_45, %dot_general3A_46 {dimension_numbers = #tpu.dot_dimension_numbers<[1], [0], [0], [1], [0, 0, 1, 1], [], []>, transpose_lhs_hint = false} : vector<1000x128xf32>, vector<128x40xf32>, vector<1000x40xf32> -> vector<1000x40xf32>
    %get3A_48 = arith.constant 0 : index
    %get3A_49 = vector.load %arg9[%get3A_48] : memref<40xf32, #tpu.memory_space<vmem>>, vector<40xf32>
    %broadcast_in_dim3A_50 = vector.shape_cast %get3A_49 : vector<40xf32> to vector<1x40xf32>
    %add3A_51 = vector.broadcast %broadcast_in_dim3A_50 : vector<1x40xf32> to vector<1000x40xf32>
    %add3A_52 = arith.addf %dot_general3A_47, %add3A_51 : vector<1000x40xf32>
    %broadcast_in_dim3A_53 = arith.constant 0.000000e+00 : f32
    %broadcast_in_dim3A_54 = vector.broadcast %broadcast_in_dim3A_53 : f32 to vector<1000x8xf32>
    %concatenate3A = tpu.concatenate %dot_general3A_42, %broadcast_in_dim3A_54 in 1 : vector<1000x40xf32>, vector<1000x8xf32> -> vector<1000x48xf32>
    %convert_element_type3A_55 = arith.truncf %concatenate3A : vector<1000x48xf32> to vector<1000x48xbf16>
    %swap3A = arith.constant 0 : index
    %swap3A_56 = arith.constant 0 : index
    %swap3A_57 = vector.load %arg10[%swap3A, %swap3A_56] : memref<1000x48xbf16, #tpu.memory_space<vmem>>, vector<1000x48xbf16>
    tpu.vector_store %arg10[%swap3A, %swap3A_56], %convert_element_type3A_55 {strides = array<i32>} : memref<1000x48xbf16, #tpu.memory_space<vmem>>, vector<1000x48xbf16>,
    %broadcast_in_dim3A_58 = arith.constant 0.000000e+00 : f32
    %broadcast_in_dim3A_59 = vector.broadcast %broadcast_in_dim3A_58 : f32 to vector<1000x7xf32>
    %concatenate3A_60 = tpu.concatenate %add3A_52, %div3A_15, %broadcast_in_dim3A_59 in 1 : vector<1000x40xf32>, vector<1000x1xf32>, vector<1000x7xf32> -> vector<1000x48xf32>
    %convert_element_type3A_61 = arith.truncf %concatenate3A_60 : vector<1000x48xf32> to vector<1000x48xbf16>
    %swap3A_62 = arith.constant 0 : index
    %swap3A_63 = arith.constant 0 : index
    %swap3A_64 = vector.load %arg11[%swap3A_62, %swap3A_63] : memref<1000x48xbf16, #tpu.memory_space<vmem>>, vector<1000x48xbf16>
    tpu.vector_store %arg11[%swap3A_62, %swap3A_63], %convert_element_type3A_61 {strides = array<i32>} : memref<1000x48xbf16, #tpu.memory_space<vmem>>, vector<1000x48xbf16>,
    return
  }
  func.func @transform_0(%arg0: i32) -> (i32, i32) {
    %c0_i32 = arith.constant 0 : i32
    %c0_i32_0 = arith.constant 0 : i32
    return %arg0, %c0_i32 : i32, i32
  }
  func.func @transform_1(%arg0: i32) -> (i32, i32) {
    %c0_i32 = arith.constant 0 : i32
    %c0_i32_0 = arith.constant 0 : i32
    return %arg0, %c0_i32 : i32, i32
  }
  func.func @transform_2(%arg0: i32) -> (i32, i32, i32) {
    %c0_i32 = arith.constant 0 : i32
    %c0_i32_0 = arith.constant 0 : i32
    %c0_i32_1 = arith.constant 0 : i32
    return %c0_i32, %arg0, %c0_i32_0 : i32, i32, i32
  }
  func.func @transform_3(%arg0: i32) -> (i32, i32) {
    %c0_i32 = arith.constant 0 : i32
    %c0_i32_0 = arith.constant 0 : i32
    %c0_i32_1 = arith.constant 0 : i32
    return %c0_i32, %c0_i32_0 : i32, i32
  }
  func.func @transform_4(%arg0: i32) -> (i32, i32) {
    %c0_i32 = arith.constant 0 : i32
    %c0_i32_0 = arith.constant 0 : i32
    %c0_i32_1 = arith.constant 0 : i32
    return %c0_i32, %c0_i32_0 : i32, i32
  }
  func.func @transform_5(%arg0: i32) -> i32 {
    %c0_i32 = arith.constant 0 : i32
    %c0_i32_0 = arith.constant 0 : i32
    return %c0_i32 : i32
  }
  func.func @transform_6(%arg0: i32) -> (i32, i32) {
    %c0_i32 = arith.constant 0 : i32
    %c0_i32_0 = arith.constant 0 : i32
    %c0_i32_1 = arith.constant 0 : i32
    return %c0_i32, %c0_i32_0 : i32, i32
  }
  func.func @transform_7(%arg0: i32) -> (i32, i32) {
    %c0_i32 = arith.constant 0 : i32
    %c0_i32_0 = arith.constant 0 : i32
    %c0_i32_1 = arith.constant 0 : i32
    return %c0_i32, %c0_i32_0 : i32, i32
  }
  func.func @transform_8(%arg0: i32) -> i32 {
    %c0_i32 = arith.constant 0 : i32
    %c0_i32_0 = arith.constant 0 : i32
    return %c0_i32 : i32
  }
  func.func @transform_9(%arg0: i32) -> (i32, i32) {
    %c0_i32 = arith.constant 0 : i32
    %c0_i32_0 = arith.constant 0 : i32
    return %arg0, %c0_i32 : i32, i32
  }
  func.func @transform_10(%arg0: i32) -> (i32, i32) {
    %c0_i32 = arith.constant 0 : i32
    %c0_i32_0 = arith.constant 0 : i32
    return %arg0, %c0_i32 : i32, i32
  }
}

module attributes {stable_mosaic.version = 14 : i64} {
  func.func @_layerC_body(%arg0: i32, %arg1: memref<2x1000x48xbf16, #tpu.memory_space<vmem>>, %arg2: memref<1000x48xbf16, #tpu.memory_space<vmem>>, %arg3: memref<1000x40xf32, #tpu.memory_space<vmem>>) attributes {dimension_semantics = [#tpu.dimension_semantics<arbitrary>], iteration_bounds = array<i64: 10>, scalar_prefetch = 0 : i64, scratch_operands = 0 : i64, tpu.core_type = #tpu.core_type<tc>, window_params = [{transform_indices = @transform_0, window_bounds = array<i64: 2, 1000, 48>}, {transform_indices = @transform_1, window_bounds = array<i64: 1000, 48>}, {transform_indices = @transform_2, window_bounds = array<i64: 1000, 40>}]} {
    %get3A = arith.constant 0 : index
    %get3A_0 = arith.constant 0 : index
    %get3A_1 = arith.constant 0 : index
    %get3A_2 = vector.load %arg1[%get3A, %get3A_0, %get3A_1] : memref<2x1000x48xbf16, #tpu.memory_space<vmem>>, vector<1x1000x48xbf16>
    %get3A_3 = vector.shape_cast %get3A_2 : vector<1x1000x48xbf16> to vector<1000x48xbf16>
    %convert_element_type3A = arith.extf %get3A_3 : vector<1000x48xbf16> to vector<1000x48xf32>
    %get3A_4 = arith.constant 1 : index
    %get3A_5 = arith.constant 0 : index
    %get3A_6 = arith.constant 0 : index
    %get3A_7 = vector.load %arg1[%get3A_4, %get3A_5, %get3A_6] : memref<2x1000x48xbf16, #tpu.memory_space<vmem>>, vector<1x1000x48xbf16>
    %get3A_8 = vector.shape_cast %get3A_7 : vector<1x1000x48xbf16> to vector<1000x48xbf16>
    %convert_element_type3A_9 = arith.extf %get3A_8 : vector<1000x48xbf16> to vector<1000x48xf32>
    %add3A = arith.addf %convert_element_type3A, %convert_element_type3A_9 : vector<1000x48xf32>
    %get3A_10 = arith.constant 0 : index
    %get3A_11 = arith.constant 0 : index
    %get3A_12 = vector.load %arg2[%get3A_10, %get3A_11] : memref<1000x48xbf16, #tpu.memory_space<vmem>>, vector<1000x48xbf16>
    %convert_element_type3A_13 = arith.extf %get3A_12 : vector<1000x48xbf16> to vector<1000x48xf32>
    %slice3A = vector.extract_strided_slice %convert_element_type3A_13 {offsets = [0, 40], sizes = [1000, 1], strides = [1, 1]} : vector<1000x48xf32> to vector<1000x1xf32>
    %slice3A_14 = vector.extract_strided_slice %convert_element_type3A_13 {offsets = [0, 0], sizes = [1000, 40], strides = [1, 1]} : vector<1000x48xf32> to vector<1000x40xf32>
    %slice3A_15 = vector.extract_strided_slice %add3A {offsets = [0, 0], sizes = [1000, 40], strides = [1, 1]} : vector<1000x48xf32> to vector<1000x40xf32>
    %mul3A = vector.broadcast %slice3A : vector<1000x1xf32> to vector<1000x40xf32>
    %mul3A_16 = arith.mulf %slice3A_15, %mul3A : vector<1000x40xf32>
    %add3A_17 = arith.addf %slice3A_14, %mul3A_16 : vector<1000x40xf32>
    %swap3A = arith.constant 0 : index
    %swap3A_18 = arith.constant 0 : index
    %swap3A_19 = vector.load %arg3[%swap3A, %swap3A_18] : memref<1000x40xf32, #tpu.memory_space<vmem>>, vector<1000x40xf32>
    tpu.vector_store %arg3[%swap3A, %swap3A_18], %add3A_17 {strides = array<i32>} : memref<1000x40xf32, #tpu.memory_space<vmem>>, vector<1000x40xf32>,
    return
  }
  func.func @transform_0(%arg0: i32) -> (i32, i32, i32) {
    %c0_i32 = arith.constant 0 : i32
    %c0_i32_0 = arith.constant 0 : i32
    %c0_i32_1 = arith.constant 0 : i32
    return %c0_i32, %arg0, %c0_i32_0 : i32, i32, i32
  }
  func.func @transform_1(%arg0: i32) -> (i32, i32) {
    %c0_i32 = arith.constant 0 : i32
    %c0_i32_0 = arith.constant 0 : i32
    return %arg0, %c0_i32 : i32, i32
  }
  func.func @transform_2(%arg0: i32) -> (i32, i32) {
    %c0_i32 = arith.constant 0 : i32
    %c0_i32_0 = arith.constant 0 : i32
    return %arg0, %c0_i32 : i32, i32
  }
}

</mosaic_0001>

<sc_bundles>
// kernel: kernel.6.cloned.1.call-start
scs
__scs_entry_jumppad:
0x0: {  	(pc) =	sbr.rel $0x88, $3  }
0x1: {  	(tag) =	ssettag $0x0;
	lr =	simm.s32 $0x1  }
0x2: {  	[smem:$0x3F99] =	sst lr;
	_ =	strace $0xD0000000  }
0x3: {  	_ = 	snop  }
0x4: {  	_ = 	snop  }
0x5: {  	_ = 	snop  }
0x6: {  	_ = 	snop  }
0x7: {  	_ = 	snop  }
__scs_overlays_trampoline_lowered:
0x8: {  	[smem:$0x3FA8] =	sst s0  }
0x9: {  	[smem:$0x3FA9] =	sst s1  }
0xa: {  	[smem:$0x3FAA] =	sst s2  }
0xb: {  	[smem:$0x3FAB] =	sst s3  }
0xc: {  	[smem:$0x3FAC] =	sst s4  }
0xd: {  	[smem:$0x3FAD] =	sst s5  }
0xe: {  	[smem:$0x3FAE] =	sst s6  }
0xf: {  	[smem:$0x3FAF] =	sst s7  }
0x10: {  	[smem:$0x3FB0] =	sst s8  }
0x11: {  	[smem:$0x3FB1] =	sst s9;
	s0 =	simm.s32 @!p0 $0x0  }
0x12: {  	s1 =	sld [smem:$0x3F97];
	s0 =	simm.s32 @p0 $0x1  }
0x13: {  	[smem:$0x3FB2] =	sst s0;
	s0 =	simm.s32 @!p1 $0x0  }
0x14: {  	s2 =	sld [smem:$0x3F96];
	s0 =	simm.s32 @p1 $0x1  }
0x15: {  	[smem:$0x3FB3] =	sst s0;
	s0 =	simm.s32 @!p2 $0x0  }
0x16: {  	s3 =	sld [smem:$0x3FDB];
	s0 =	simm.s32 @p2 $0x1  }
0x17: {  	s4 =	simm.s32 $0x1BF5;
	[smem:$0x3FB5] =	sst s0  }
0x18: {  	s0 =	sld [smem:$0x3F98];
	_ =	swait.ge [sflag:s4], $0x0  }
0x19: {  	s7 =	sld [smem:$0x3F99]  }
0x1a: {  	s8 =	sadd.s32 $0xFFFFE003, lr  }
0x1b: {  	s9 =	sadd.s32 $0xFFFFFEF7, lr;
	s5 =	simm.s32 $0xFFFFFFFF;
	p2 =	slt.u32 s8, $0xFFFFF086  }
0x1c: {  	p1 =	slt.u32 s9, $0xF7A;
	s5 =	simm.s32 @!p2 $0x0  }
0x1d: {  	s5 =	simm.s32 @p1 $0x1;
	p0 =	seq.s32 s7, s2  }
0x1e: {  	s7 =	smul.u32 @!p0 $0xF7A, s2;
	p2 =	seq.s32 @!p0 s5, $0x0  }
0x1f: {  	s9 =	smul.u32 $0xF7A, s1;
	s8 =	simm.s32 @!p0 $0x1BF5;
	p2 =	por !p2, p0  }
0x20: {  	[sflag:s8] =	ssyncset.s32 @!p0 $0xFFFFF086;
	s6 =	sadd.s32 @!p0 s3, s7;
	s7 =	simm.s32 @!p0 $0x108  }
0x21: {  	s3 =	sadd.s32 s3, s9;
	s6 =	sadd.s32 @!p0 $0x88, s6;
	s7 =	simm.s32 @p2 $0x1082  }
0x22: {  	[simem:s7], [sflag:s8] =	dma.local @!p0 [hbm:s6], $0xF7A  }
0x23: {  	s9 =	sor.u32 $0xD0000000, s2;
	s6 =	simm.s32 $0x108;
	_ =	swait.ge @!p0 [sflag:s8], $0x0  }
0x24: {  	s3 =	sadd.s32 $0x88, s3;
	s6 =	simm.s32 @!p1 $0x1082;
	[sflag:s4] =	ssyncset.s32 $0xFFFFF086  }
0x25: {  	[simem:s6], [sflag:s4] =	dma.local [hbm:s3], $0xF7A  }
0x26: {  	[smem:$0x3F99] =	sst s1;
	(tag) =	ssettag s2;
	_ =	strace s9  }
0x27: {  	s1 =	sld [smem:$0x3FA9]  }
0x28: {  	s2 =	sld [smem:$0x3FAA]  }
0x29: {  	s4 =	sld [smem:$0x3FAC]  }
0x2a: {  	p0 =	seq.s32 s5, $0x0;
	s5 =	sld [smem:$0x3FAD]  }
0x2b: {  	s6 =	sld [smem:$0x3FAE]  }
0x2c: {  	s7 =	sld [smem:$0x3FAF]  }
0x2d: {  	s3 =	simm.s32 $0x108;
	s8 =	sld [smem:$0x3FB0]  }
0x2e: {  	s3 =	simm.s32 @!p0 $0x1082;
	s9 =	sld [smem:$0x3FB1]  }
0x2f: {  	lr =	sadd.s32 s0, s3;
	s0 =	sld [smem:$0x3FA8]  }
0x30: {  	s3 =	sld [smem:$0x3FAB]  }
0x31: {  	[smem:$0x3FB4] =	sst s10  }
0x32: {  	s10 =	sld [smem:$0x3FB2];
	_ =	sdelay $0x3  }
0x33: {  	p0 =	seq.s32 s10, $0x1;
	s10 =	sld [smem:$0x3FB4];
	_ =	sdelay $0x3  }
0x34: {  	[smem:$0x3FB4] =	sst s10  }
0x35: {  	s10 =	sld [smem:$0x3FB3];
	_ =	sdelay $0x3  }
0x36: {  	p1 =	seq.s32 s10, $0x1;
	s10 =	sld [smem:$0x3FB4];
	_ =	sdelay $0x3  }
0x37: {  	[smem:$0x3FB4] =	sst s10  }
0x38: {  	s10 =	sld [smem:$0x3FB5]  }
0x39: {  	_ = 	snop;
	(pc) =	sbr.ind lr, $3  }
0x3a: {  	_ = 	snop  }
0x3b: {  	_ = 	snop  }
0x3c: {  	p2 =	seq.s32 s10, $0x1;
	s10 =	sld [smem:$0x3FB4]  }
0x3d: {  	_ =	shalt  }
0x3e: {  	_ =	shalt  }
0x3f: {  	_ =	shalt  }
0x40: {  	_ =	shalt  }
0x41: {  	_ =	shalt  }
0x42: {  	_ =	shalt  }
0x43: {  	_ =	shalt  }
0x44: {  	_ =	shalt  }
0x45: {  	_ =	shalt  }
0x46: {  	_ =	shalt  }
0x47: {  	_ =	shalt  }
0x48: {  	_ =	shalt  }
0x49: {  	_ =	shalt  }
0x4a: {  	_ =	shalt  }
0x4b: {  	_ =	shalt  }
0x4c: {  	_ =	shalt  }
0x4d: {  	_ =	shalt  }
0x4e: {  	_ =	shalt  }
0x4f: {  	_ =	shalt  }
0x50: {  	_ =	shalt  }
0x51: {  	_ =	shalt  }
0x52: {  	_ =	shalt  }
0x53: {  	_ =	shalt  }
0x54: {  	_ =	shalt  }
0x55: {  	_ =	shalt  }
0x56: {  	_ =	shalt  }
0x57: {  	_ =	shalt  }
0x58: {  	_ =	shalt  }
0x59: {  	_ =	shalt  }
0x5a: {  	_ =	shalt  }
0x5b: {  	_ =	shalt  }
0x5c: {  	_ =	shalt  }
0x5d: {  	_ =	shalt  }
0x5e: {  	_ =	shalt  }
0x5f: {  	_ =	shalt  }
0x60: {  	_ =	shalt  }
0x61: {  	_ =	shalt  }
0x62: {  	_ =	shalt  }
0x63: {  	_ =	shalt  }
0x64: {  	_ =	shalt  }
0x65: {  	_ =	shalt  }
0x66: {  	_ =	shalt  }
0x67: {  	_ =	shalt  }
0x68: {  	_ =	shalt  }
0x69: {  	_ =	shalt  }
0x6a: {  	_ =	shalt  }
0x6b: {  	_ =	shalt  }
0x6c: {  	_ =	shalt  }
0x6d: {  	_ =	shalt  }
0x6e: {  	_ =	shalt  }
0x6f: {  	_ =	shalt  }
0x70: {  	_ =	shalt  }
0x71: {  	_ =	shalt  }
0x72: {  	_ =	shalt  }
0x73: {  	_ =	shalt  }
0x74: {  	_ =	shalt  }
0x75: {  	_ =	shalt  }
0x76: {  	_ =	shalt  }
0x77: {  	_ =	shalt  }
0x78: {  	_ =	shalt  }
0x79: {  	_ =	shalt  }
0x7a: {  	_ =	shalt  }
0x7b: {  	_ =	shalt  }
0x7c: {  	_ =	shalt  }
0x7d: {  	_ =	shalt  }
0x7e: {  	_ =	shalt  }
0x7f: {  	_ =	shalt  }
0x80: {  	_ =	shalt  }
0x81: {  	_ =	shalt  }
0x82: {  	_ =	shalt  }
0x83: {  	_ =	shalt  }
0x84: {  	_ =	shalt  }
0x85: {  	_ =	shalt  }
0x86: {  	_ =	shalt  }
0x87: {  	_ =	shalt  }
.Lfunc_end0:
.L_simem_size_0:
called_computation_lowered:
.L_overlay_start_0:
0x88: {  	s2 =	sld [smem:$0x3FD9]  }
0x89: {  	s3 =	sld [smem:$0x3FFE];
	_ =	sdelay $0x1  }
0x8a: {  	s1 =	srdreg.scid  }
0x8b: {  	s0 =	sand.u32 $0x1, s1  }
0x8c: {  	s17 =	sshll.u32 s0, $0xA;
	s2 =	sadd.s32 s3, s2  }
0x8d: {  	s2 =	sadd.s32 s2, s17  }
0x8e: {  	[smem:$0x3FC0] =	sst s2  }
0x8f: {  	_ = 	snop  }
0x90: {  	s2 =	sld [smem:$0x3FD0];
	(tm) =	ssettm $0x1  }
0x91: {  	s18 =	sld [smem:$0x3FFB];
	_ =	sdelay $0x3  }
0x92: {  	_ =	strace s18  }
0x93: {  	s3 =	sld [smem:$0x3FFC];
	_ =	sdelay $0x3  }
0x94: {  	_ =	strace s3  }
0x95: {  	s3 =	sld [smem:$0x3FFD];
	_ =	sdelay $0x3  }
0x96: {  	_ =	strace s3  }
0x97: {  	_ =	strace $0x8FFFFFFF  }
0x98: {  	s19 =	sld [smem:$0x3FDB];
	_ =	sdelay $0x1  }
0x99: {  	s4 =	simm.s32 $_scs_section_size  }
0x9a: {  	s5 =	simm.s32 $_size__tile_overlayer_lowered;
	s6 =	simm.s32 $_tile_overlayer_lowered  }
0x9b: {  	s22 =	simm.s32 $0x1BFF;
	s21 =	sshll.u32 s6, $0x1;
	s3 =	sadd.s32 s4, s19  }
0x9c: {  	s7 =	simm.s32 $0x0;
	s20 =	sshll.u32 s5, $0x1;
	s5 =	sadd.s32 s21, s3  }
0x9d: {  	[timem:s7], [sflag:s22] =	dma.local [hbm:s5], s20  }
0x9e: {  	_ =	swait.ge [sflag:s22], s20  }
0x9f: {  	s4 =	ssub.s32 $0x0, s20;
	[sflag:s22] =	ssyncset.done $0x0  }
0xa0: {  	[sflag:s22] =	ssyncadd.s32 s4;
	_ =	sdelay $0x1  }
0xa1: {  	s23 =	simm.s32 $0x1B8B  }
0xa2: {  	_ =	swait.ge [sflag:s23], $0x1  }
0xa3: {  	[sflag:s23] =	ssyncset.done $0x0  }
0xa4: {  	s25 =	simm.s32 $0x1B8E;
	s24 =	sld [smem:$0x3FFE];
	[sflag:s23] =	ssyncadd.s32 $0xFFFFFFFF  }
0xa5: {  	s26 =	simm.s32 $execute0_lowered;
	[smem:$0x3FD2] =	sst s25  }
0xa6: {  	s5 =	sshll.u32 s26, $0x1;
	_ =	strace $0x80000046;
	[dreg:$0x1] =	wrdreg $0xFFFFFFFF  }
0xa7: {  	s28 =	simm.s32 $_size_execute0_lowered;
	s3 =	sadd.s32 s3, s5;
	[dreg:$0x0] =	wrdreg $0x0  }
0xa8: {  	s5 =	sshll.u32 s28, $0x1;
	[dreg:$0x2] =	wrdreg s3  }
0xa9: {  	[dreg:$0x3] =	wrdreg s5  }
0xaa: {  	[dreg:$0x4] =	wrdreg $0xC0  }
0xab: {  	_ =	task [dreg:s7], $0x5FFFF  }
0xac: {  	[dreg:$0x1] =	wrdreg $0xFFFFFFFF  }
0xad: {  	[dreg:$0x0] =	wrdreg $0x60  }
0xae: {  	[dreg:$0x2] =	wrdreg s24  }
0xaf: {  	[dreg:$0x3] =	wrdreg s2  }
0xb0: {  	[dreg:$0x4] =	wrdreg $0x48000  }
0xb1: {  	[dreg:$0x5] =	wrdreg $0x96400  }
0xb2: {  	[dreg:$0x6] =	wrdreg $0xE4800  }
0xb3: {  	[dreg:$0x7] =	wrdreg $0x9  }
0xb4: {  	_ =	task.clear_ibuf [dreg:s7], $0x8FFFF;
	_ =	strace $0x90000046  }
0xb5: {  	s29 =	simm.s32 $0x9;
	_ =	strace $0x80000048  }
0xb6: {  	_ =	swait.ge [sflag:s29], $0x1  }
0xb7: {  	[sflag:s29] =	ssyncadd.s32 $0xFFFFFFFF  }
0xb8: {  	_ =	strace $0x90000048  }
0xb9: {  	_ =	sfence  }
0xba: {  	s30 =	sld [smem:$0x0];
	_ =	sdelay $0x2  }
0xbb: {  	s31 =	sshll.u32 s1, $0xD;
	s1 =	sshrl.u32 s1, $0x2  }
0xbc: {  	s3 =	sand.u32 $0x4000, s31;
	s1 =	sadd.s32 s1, s30  }
0xbd: {  	s0 =	sor.u32 s3, s0;
	s1 =	sshll.u32 s1, $0x11  }
0xbe: {  	s0 =	sor.u32 s1, s0  }
0xbf: {  	s0 =	sadd.s32 $0x8F2B, s0  }
0xc0: {  	[sflag:s0] =	ssyncadd.remote.s32 $0x1  }
0xc1: {  	_ =	sfence.sel $0xFFFF  }
0xc2: {  	[dreg:$0x0] =	wrdreg $0xFFFFFFFF;
	(pc) =	sbr.abs _section_cstart, $3  }
0xc3: {  	[dreg:$0x1] =	wrdreg $0xFFFFFFFF  }
0xc4: {  	_ =	task.clear_ibuf [dreg:s7], $0x2FFFF;
	_ =	strace $0x9FFFFFFF  }
0xc5: {  	(tm) =	ssettm $0x7FFFFFFF  }
tec
execute0_lowered:
.L_overlay_start_1:
0x0: {  	(tag) =	ssettag $0x1  }
0x1: {  	s0 =	rddreg [dreg:$0x0]  }
0x2: {  	s1 =	rddreg [dreg:$0x1]  }
0x3: {  	s2 =	rddreg [dreg:$0x2]  }
0x4: {  	s3 =	rddreg [dreg:$0x3];
	s18 =	stileid.u32  }
0x5: {  	s5 =	rddreg [dreg:$0x4];
	s6 =	simm.s32 $0x0;
	s20 =	smul.u32 $0x13900, s18  }
0x6: {  	s4 =	srdreg.scid;
	s31 =	simm.s32 $0x2000;
	s8 =	smul.u32 $0x2720, s18  }
0x7: {  	[smem:$0x7FF] =	sst s6;
	s4 =	sand.u32 $0x1, s4;
	s12 =	smul.u32 $0x5000, s18  }
0x8: {  	s9 =	sadd.s32 $0x1E00, s0;
	s23 =	smul.u32 $0x272, s18;
	p2 =	seq.s32 s18, $0xF  }
0x9: {  	_ =	strace $0x80000047;
	s7 =	sshll.u32 s4, $0x6;
	s11 =	smul.u32 $0x27200, s4  }
0xa: {  	s14 =	ssub.s32 $0x2, s4;
	s24 =	sshll.u32 s4, $0x2;
	p0 =	sne.s32 s4, $0x0  }
0xb: {  	p1 =	seq.s32 s4, $0x0;
	s10 =	sor.u32 s7, s20;
	s7 =	sadd.s32 $0x15800, s0  }
0xc: {  	s15 =	sshrl.u32 s14, $0x1;
	s16 =	sshrl.u32 s12, $0x3;
	s6 =	sshrl.u32 s20, $0x2  }
0xd: {  	s25 =	sadd.s32 $0x80, s23;
	s26 =	sadd.s32 $0x100, s23;
	s10 =	sshrl.u32 s10, $0x4  }
0xe: {  	s11 =	sadd.s32 s8, s11;
	s21 =	sadd.s32 s1, s16;
	s22 =	sadd.s32 s7, s16  }
0xf: {  	s28 =	sshll.u32 s25, $0x5;
	s17 =	sshll.u32 s26, $0x5;
	[dreg:$0x6] =	wrdreg s21  }
0x10: {  	s13 =	sadd.s32 s10, s0;
	s11 =	sshrl.u32 s11, $0x3;
	[dreg:$0x7] =	wrdreg s22  }
0x11: {  	s10 =	sadd.s32 s9, s10;
	s9 =	sadd.s32 s24, s9;
	s24 =	sadd.s32 s6, s3  }
0x12: {  	s29 =	sadd.s32 s28, s3;
	s30 =	sadd.s32 s17, s3;
	s17 =	sadd.s32 $0x200, s23  }
0x13: {  	s21 =	sshll.u32 s25, $0x4;
	s25 =	sadd.s32 s8, s5;
	[dreg:$0x8] =	wrdreg s10  }
0x14: {  	s22 =	sshll.u32 s26, $0x4;
	s8 =	simm.s32 $0x1;
	[dreg:$0xb] =	wrdreg s29  }
0x15: {  	s0 =	sadd.s32 s11, s0;
	s11 =	ssub.s32 s14, s15;
	[dreg:$0xc] =	wrdreg s30  }
0x16: {  	s15 =	sadd.s32 s6, s2;
	s9 =	sadd.s32 $0x12570, s9;
	[dreg:$0xa] =	wrdreg s24  }
0x17: {  	s14 =	sshll.u32 s17, $0x5;
	s26 =	sshll.u32 s17, $0x4;
	[dreg:$0xf] =	wrdreg s25  }
0x18: {  	s29 =	sadd.s32 $0x1F800, s13;
	s13 =	simm.s32 $0x3000;
	[dreg:$0x9] =	wrdreg s9  }
0x19: {  	s10 =	simm.s32 $0x0;
	s20 =	sadd.s32 s14, s3;
	[dreg:$0x14] =	wrdreg s29  }
0x1a: {  	s9 =	sadd.s32 $0x180, s23;
	s28 =	sadd.s32 s26, s5;
	[dreg:$0xe] =	wrdreg s20  }
0x1b: {  	s0 =	sadd.s32 $0x33200, s0;
	s30 =	smax.u32 s11, $0x1;
	[dreg:$0x13] =	wrdreg s28  }
0x1c: {  	s11 =	simm.s32 $0x80;
	s14 =	simm.s32 $0x3;
	[dreg:$0x15] =	wrdreg s0  }
0x1d: {  	s19 =	sshll.u32 s9, $0x5;
	s23 =	sshll.u32 s9, $0x4;
	[dreg:$0x16] =	wrdreg s30  }
0x1e: {  	s0 =	sadd.s32 $0x495C0, s2;
	s9 =	simm.s32 $0x1000;
	s4 =	sadd.s32 s19, s3  }
0x1f: {  	s0 =	sshrl.u32 @p2 s0, $0x3;
	s19 =	simm.s32 $0x2;
	[dreg:$0xd] =	wrdreg s4  }
0x20: {  	s4 =	sadd.s32 s21, s5;
	[dreg:$0x17] =	wrdreg s0;
	s0 =	sshrl.u32 @!p2 s15, $0x3  }
0x21: {  	s15 =	simm.s32 $0x4;
	s21 =	simm.s32 $0x1F00;
	[dreg:$0x10] =	wrdreg s4  }
0x22: {  	s4 =	sadd.s32 s22, s5;
	s22 =	sor.u32 $0x800, s12;
	[dreg:$0x18] =	wrdreg s0  }
0x23: {  	s0 =	simm.s32 $0x5;
	[dreg:$0x11] =	wrdreg s4;
	s4 =	sadd.s32 s23, s5  }
0x24: {  	v0 =	vimm.bf16 $0.0e+00;
	v1 =	vimm.f32 $0.0e+00;
	v2 =	vimm.f32 $1.000000000e+00;
	s23 =	sadd.s32 $0x1000, s12;
	[dreg:$0x12] =	wrdreg s4;
	s4 =	simm.s32 $0x6  }
.LBB2_1:
0x25: {  	[dreg:$0x19] =	wrdreg s10  }
0x26: {  	s6 =	rddreg [dreg:$0x6]  }
0x27: {  	s17 =	simm.s32 $0x0;
	s26 =	rddreg [dreg:$0x7];
	s28 =	simm.s32 $0x800  }
0x28: {  	[tilespmem:s17], [sflag:$0x1] =	stream.linear.gather [hbm4b:s6+s17], $0x800, $0x38;
	[tilespmem:$0x10BA0] =	vst v63  }
0x29: {  	s10 =	simm.s32 @p2 $0x4;
	s12 =	simm.s32 @p2 $0x8;
	s20 =	rddreg [dreg:$0x9]  }
0x2a: {  	[tilespmem:s28], [sflag:$0x1] =	stream.linear.gather [hbm4b:s26+s17], $0x800, $0x38;
	[tilespmem:$0x10BA0] =	vst v63  }
0x2b: {  	s16 =	simm.s32 @p2 $0x1FC5;
	s6 =	simm.s32 @p2 $0x1;
	s26 =	rddreg [dreg:$0x17]  }
0x2c: {  	[spmem:s26@s10], [sflag:s16] =	dma.strided @p2 [hbm:s20@s12], $0x988, s6, $0x4   }
0x2d: {  	s6 =	simm.s32 @p2 $0x5  }
0x2e: {  	_ =	swait.ge @p2 [sflag:s6], $0x988  }
0x2f: {  	s10 =	sshll.u32 @!p2 s18, $0x6;
	s12 =	simm.s32 @!p2 $0x4;
	s18 =	rddreg [dreg:$0x8]  }
0x30: {  	s16 =	simm.s32 @!p2 $0x8;
	[sflag:s6] =	ssyncset.done @p2 $0x0;
	s20 =	rddreg [dreg:$0x18]  }
0x31: {  	[sflag:s6] =	ssyncadd.s32 @p2 $0xFFFFF678;
	s6 =	sor.u32 @!p2 $0x1C05, s10;
	s10 =	simm.s32 @!p2 $0x1  }
0x32: {  	[spmem:s20@s12], [sflag:s6] =	dma.strided @!p2 [hbm:s18@s16], $0x9C8, s10, $0x4   }
0x33: {  	s6 =	simm.s32 @!p2 $0x5  }
0x34: {  	s29 =	sand.u32 $0x3F80, s17;
	s30 =	sand.u32 $0x20, s17;
	_ =	swait.ge @!p2 [sflag:s6], $0x9C8  }
0x35: {  	s10 =	sshrl.u32 s29, $0x2;
	s12 =	sshrl.u32 s30, $0x1;
	[sflag:s6] =	ssyncset.done @!p2 $0x0  }
0x36: {  	s10 =	sor.u32 s12, s10;
	[sflag:s6] =	ssyncadd.s32 @!p2 $0xFFFFF638  }
0x37: {  	s6 =	simm.s32 $0x40;
	[tilespmem:s10+$0x2000] =	vst v0;
	s10 =	simm.s32 $0x0  }
.LBB2_2:
0x38: {  	p3 =	sne.s32 s6, $0x3FC0  }
.Ltmp0:
0x39: {  	s12 =	sand.u32 $0x3F80, s6;
	s10 =	sadd.s32 $0x20, s10;
	(pc) =	sbr.rel @p3 .LBB2_2-.Ltmp0, $4  }
0x3a: {  	s6 =	sadd.s32 $0x40, s6;
	s16 =	sand.u32 $0x20, s10  }
0x3b: {  	s12 =	sshrl.u32 s12, $0x2;
	s16 =	sshrl.u32 s16, $0x1  }
0x3c: {  	s12 =	sor.u32 s16, s12  }
0x3d: {  	[tilespmem:s12+$0x2000] =	vst v0  }
0x3e: {  	[spmem:s24] =	stream.linear.scatter [tilespmem:s31], [sflag:$0x5], $0x1000, $0x38;
	[tilespmem:$0x10BA0] =	vst v63  }
0x3f: {  	_ =	swait.ge [sflag:s0], $0x1000  }
0x40: {  	[sflag:s0] =	ssyncset.done $0x0  }
0x41: {  	s6 =	rddreg [dreg:$0xb];
	[sflag:s0] =	ssyncadd.s32 $0xFFFFF000  }
0x42: {  	[spmem:s6] =	stream.linear.scatter [tilespmem:s31], [sflag:$0x5], $0x1000, $0x38;
	[tilespmem:$0x10BA0] =	vst v63  }
0x43: {  	_ =	swait.ge [sflag:s0], $0x1000  }
0x44: {  	[sflag:s0] =	ssyncset.done $0x0  }
0x45: {  	s28 =	rddreg [dreg:$0xc];
	[sflag:s0] =	ssyncadd.s32 $0xFFFFF000  }
0x46: {  	[spmem:s28] =	stream.linear.scatter [tilespmem:s31], [sflag:$0x5], $0x1000, $0x38;
	[tilespmem:$0x10BA0] =	vst v63  }
0x47: {  	_ =	swait.ge [sflag:s0], $0x1000  }
0x48: {  	[sflag:s0] =	ssyncset.done $0x0  }
0x49: {  	s29 =	rddreg [dreg:$0xd];
	[sflag:s0] =	ssyncadd.s32 $0xFFFFF000  }
0x4a: {  	[spmem:s29] =	stream.linear.scatter [tilespmem:s31], [sflag:$0x5], $0x1000, $0x38;
	[tilespmem:$0x10BA0] =	vst v63  }
0x4b: {  	_ =	swait.ge [sflag:s0], $0x1000  }
0x4c: {  	[sflag:s0] =	ssyncset.done $0x0  }
0x4d: {  	s30 =	rddreg [dreg:$0xe];
	[sflag:s0] =	ssyncadd.s32 $0xFFFFF000  }
0x4e: {  	[spmem:s30] =	stream.linear.scatter [tilespmem:s31], [sflag:$0x5], $0xE40, $0x38;
	[tilespmem:$0x10BA0] =	vst v63  }
0x4f: {  	_ =	swait.ge [sflag:s0], $0xE40  }
0x50: {  	[sflag:s0] =	ssyncset.done $0x0  }
0x51: {  	s10 =	simm.s32 $0x0;
	s6 =	simm.s32 $0x40;
	[sflag:s0] =	ssyncadd.s32 $0xFFFFF1C0  }
.LBB2_4:
0x52: {  	p3 =	sne.s32 s6, $0x1FC0;
	[tilespmem:s10+$0x4000] =	vst v1;
	s10 =	smov.u32 s6;
	s6 =	sadd.s32 $0x40, s6  }
.Ltmp1:
0x53: {  	(pc) =	sbr.rel @p3 .LBB2_4-.Ltmp1, $2  }
0x54: {  	_ =	sdelay $0x2  }
0x55: {  	s10 =	sshra.s32 s10, $0x2  }
0x56: {  	[tilespmem:s10+$0x4000] =	vst v1;
	s26 =	simm.s32 $0x4000  }
0x57: {  	[spmem:s25] =	stream.linear.scatter [tilespmem:s26], [sflag:$0x5], $0x800, $0x38;
	[tilespmem:$0x10BA0] =	vst v63  }
0x58: {  	_ =	swait.ge [sflag:s0], $0x800  }
0x59: {  	[sflag:s0] =	ssyncset.done $0x0  }
0x5a: {  	s6 =	rddreg [dreg:$0x10];
	[sflag:s0] =	ssyncadd.s32 $0xFFFFF800  }
0x5b: {  	[spmem:s6] =	stream.linear.scatter [tilespmem:s26], [sflag:$0x5], $0x800, $0x38;
	[tilespmem:$0x10BA0] =	vst v63  }
0x5c: {  	_ =	swait.ge [sflag:s0], $0x800  }
0x5d: {  	[sflag:s0] =	ssyncset.done $0x0  }
0x5e: {  	s28 =	rddreg [dreg:$0x11];
	[sflag:s0] =	ssyncadd.s32 $0xFFFFF800  }
0x5f: {  	[spmem:s28] =	stream.linear.scatter [tilespmem:s26], [sflag:$0x5], $0x800, $0x38;
	[tilespmem:$0x10BA0] =	vst v63  }
0x60: {  	_ =	swait.ge [sflag:s0], $0x800  }
0x61: {  	[sflag:s0] =	ssyncset.done $0x0  }
0x62: {  	s29 =	rddreg [dreg:$0x12];
	[sflag:s0] =	ssyncadd.s32 $0xFFFFF800  }
0x63: {  	[spmem:s29] =	stream.linear.scatter [tilespmem:s26], [sflag:$0x5], $0x800, $0x38;
	[tilespmem:$0x10BA0] =	vst v63  }
0x64: {  	_ =	swait.ge [sflag:s0], $0x800  }
0x65: {  	[sflag:s0] =	ssyncset.done $0x0  }
0x66: {  	s30 =	rddreg [dreg:$0x13];
	[sflag:s0] =	ssyncadd.s32 $0xFFFFF800  }
0x67: {  	[spmem:s30] =	stream.linear.scatter [tilespmem:s26], [sflag:$0x5], $0x720, $0x38;
	[tilespmem:$0x10BA0] =	vst v63  }
0x68: {  	_ =	swait.ge [sflag:s0], $0x720  }
0x69: {  	[sflag:s0] =	ssyncset.done $0x0  }
0x6a: {  	s10 =	simm.s32 $0x0;
	s6 =	simm.s32 $0x40;
	[sflag:s0] =	ssyncadd.s32 $0xFFFFF8E0  }
.LBB2_6:
0x6b: {  	p3 =	sne.s32 s6, $0x1FC0;
	[tilespmem:s10+$0x4000] =	vst v2;
	s10 =	smov.u32 s6;
	s6 =	sadd.s32 $0x40, s6  }
.Ltmp2:
0x6c: {  	(pc) =	sbr.rel @p3 .LBB2_6-.Ltmp2, $2  }
0x6d: {  	_ =	sdelay $0x2  }
0x6e: {  	s10 =	sshra.s32 s10, $0x2  }
0x6f: {  	[tilespmem:s10+$0x4000] =	vst v2  }
0x70: {  	s25 =	simm.s32 $0x0;
	s26 =	simm.s32 $0x0;
	[bflag:$0x0] =	sbarrier.arrive $0xFFFF  }
.LBB2_8:
0x71: {  	_ =	swait.ge [sflag:s8], $0x800  }
0x72: {  	[sflag:s8] =	ssyncset.done $0x0  }
0x73: {  	s28 =	sshll.u32 s26, $0xC;
	[sflag:s8] =	ssyncadd.s32 $0xFFFFF800  }
0x74: {  	s6 =	sadd.s32 s28, s22;
	_ =	swait.ge [sflag:s8], $0x800  }
0x75: {  	s6 =	sshrl.u32 s6, $0x3;
	[sflag:s8] =	ssyncset.done $0x0  }
0x76: {  	s10 =	sadd.s32 s1, s6;
	[sflag:s8] =	ssyncadd.s32 $0xFFFFF800  }
0x77: {  	[tilespmem:s9], [sflag:$0x2] =	stream.linear.gather [hbm4b:s10+s25], $0x800, $0x38;
	[tilespmem:$0x10BA0] =	vst v63  }
0x78: {  	s18 =	simm.s32 $0x1800;
	s6 =	sadd.s32 s7, s6  }
0x79: {  	[tilespmem:s18], [sflag:$0x2] =	stream.linear.gather [hbm4b:s6+s25], $0x800, $0x38;
	[tilespmem:$0x10BA0] =	vst v63  }
0x7a: {  	_ = 	snop  }
0x7b: {  	[tilespmem:s31], [sflag:$0x3] =	stream.indirect.gather [spmem:s2], $0x20, s25, s11, $0xb8;
	[tilespmem:$0x10BA0] =	vst v63  }
0x7c: {  	s20 =	simm.s32 $0x80  }
0x7d: {  	[tilespmem:s13], [sflag:$0x4] =	stream.indirect.gather [spmem:s2], $0x20, s20, s11, $0xb8;
	[tilespmem:$0x10BA0] =	vst v63  }
0x7e: {  	_ =	swait.ge [sflag:s14], $0x1000  }
0x7f: {  	[sflag:s14] =	ssyncset.done $0x0  }
0x80: {  	s10 =	simm.s32 $0x800;
	[sflag:s14] =	ssyncadd.s32 $0xFFFFF000  }
0x81: {  	[spmem:s3] =	stream.indirect.scatter.add.bf16 [tilespmem:s31], [sflag:$0x6], $0x20, s10, s11, $0xb8;
	[tilespmem:$0x10BA0] =	vst v63  }
0x82: {  	_ =	swait.ge [sflag:s4], $0x1000  }
0x83: {  	s12 =	simm.s32 @!p0 $0x80;
	[sflag:s4] =	ssyncset.done $0x0  }
0x84: {  	s17 =	simm.s32 @!p0 $0x4000;
	s6 =	simm.s32 @!p0 $0x6;
	[sflag:s4] =	ssyncadd.s32 $0xFFFFF000  }
0x85: {  	[spmem:s5] =	stream.indirect.scatter.add.f32 @!p0 [tilespmem:s17], [sflag:$0x6], $0x10, s10, s12, $0xb8;
	[tilespmem:$0x10BA0] =	vst v63  }
0x86: {  	_ =	swait.ge @!p0 [sflag:s6], $0x800  }
0x87: {  	[sflag:s6] =	ssyncset.done @!p0 $0x0  }
0x88: {  	s24 =	simm.s32 $0x100;
	[sflag:s6] =	ssyncadd.s32 @!p0 $0xFFFFF800  }
0x89: {  	[tilespmem:s31], [sflag:$0x3] =	stream.indirect.gather [spmem:s2], $0x20, s24, s11, $0xb8;
	[tilespmem:$0x10BA0] =	vst v63  }
0x8a: {  	_ =	swait.ge [sflag:s15], $0x1000  }
0x8b: {  	[sflag:s15] =	ssyncset.done $0x0  }
0x8c: {  	s16 =	simm.s32 $0x880;
	[sflag:s15] =	ssyncadd.s32 $0xFFFFF000  }
0x8d: {  	[spmem:s3] =	stream.indirect.scatter.add.bf16 [tilespmem:s13], [sflag:$0x6], $0x20, s16, s11, $0xb8;
	[tilespmem:$0x10BA0] =	vst v63  }
0x8e: {  	_ =	swait.ge [sflag:s4], $0x1000  }
0x8f: {  	s29 =	simm.s32 @!p1 $0x5;
	[sflag:s4] =	ssyncset.done $0x0  }
0x90: {  	s30 =	simm.s32 @!p1 $0x80;
	s10 =	simm.s32 @!p1 $0x4000;
	[sflag:s4] =	ssyncadd.s32 $0xFFFFF000  }
0x91: {  	[spmem:s5] =	stream.indirect.scatter.add.f32 @!p1 [tilespmem:s10], [sflag:$0x5], $0x10, s16, s30, $0xb8;
	[tilespmem:$0x10BA0] =	vst v63  }
0x92: {  	_ =	swait.ge @!p1 [sflag:s29], $0x800  }
0x93: {  	s24 =	simm.s32 $0x100;
	s16 =	simm.s32 $0x800;
	[sflag:s29] =	ssyncset.done @!p1 $0x0  }
.LBB2_9:
0x94: {  	s18 =	sadd.s32 $0x80, s24  }
0x95: {  	[sflag:s29] =	ssyncadd.s32 @!p1 $0xFFFFF800;
	s20 =	smov.u32 s16;
	s16 =	sadd.s32 $0x400, s16  }
0x96: {  	[tilespmem:s13], [sflag:$0x4] =	stream.indirect.gather [spmem:s2], $0x20, s18, s11, $0xb8;
	[tilespmem:$0x10BA0] =	vst v63  }
0x97: {  	p3 =	sne.s32 s16, $0x1C00;
	_ =	swait.ge [sflag:s14], $0x1000  }
0x98: {  	[sflag:s14] =	ssyncset.done $0x0  }
0x99: {  	s18 =	sadd.s32 $0x800, s24;
	[sflag:s14] =	ssyncadd.s32 $0xFFFFF000  }
0x9a: {  	[spmem:s3] =	stream.indirect.scatter.add.bf16 [tilespmem:s31], [sflag:$0x6], $0x20, s18, s11, $0xb8;
	[tilespmem:$0x10BA0] =	vst v63  }
0x9b: {  	_ =	swait.ge [sflag:s4], $0x1000  }
0x9c: {  	[sflag:s4] =	ssyncset.done $0x0  }
0x9d: {  	[sflag:s4] =	ssyncadd.s32 $0xFFFFF000  }
0x9e: {  	[spmem:s5] =	stream.indirect.scatter.add.f32 @!p0 [tilespmem:s17], [sflag:$0x6], $0x10, s18, s12, $0xb8;
	[tilespmem:$0x10BA0] =	vst v63  }
0x9f: {  	_ =	swait.ge @!p0 [sflag:s6], $0x800  }
0xa0: {  	[sflag:s6] =	ssyncset.done @!p0 $0x0  }
0xa1: {  	s18 =	sadd.s32 $0x100, s24;
	[sflag:s6] =	ssyncadd.s32 @!p0 $0xFFFFF800  }
0xa2: {  	[tilespmem:s31], [sflag:$0x3] =	stream.indirect.gather [spmem:s2], $0x20, s18, s11, $0xb8;
	[tilespmem:$0x10BA0] =	vst v63  }
0xa3: {  	_ =	swait.ge [sflag:s15], $0x1000  }
0xa4: {  	[sflag:s15] =	ssyncset.done $0x0  }
0xa5: {  	s18 =	sadd.s32 $0x880, s24;
	[sflag:s15] =	ssyncadd.s32 $0xFFFFF000  }
0xa6: {  	[spmem:s3] =	stream.indirect.scatter.add.bf16 [tilespmem:s13], [sflag:$0x6], $0x20, s18, s11, $0xb8;
	[tilespmem:$0x10BA0] =	vst v63  }
0xa7: {  	_ =	swait.ge [sflag:s4], $0x1000  }
.Ltmp3:
0xa8: {  	[sflag:s4] =	ssyncset.done $0x0;
	(pc) =	sbr.rel @p3 .LBB2_9-.Ltmp3, $4  }
0xa9: {  	[sflag:s4] =	ssyncadd.s32 $0xFFFFF000  }
0xaa: {  	[spmem:s5] =	stream.indirect.scatter.add.f32 @!p1 [tilespmem:s10], [sflag:$0x5], $0x10, s18, s30, $0xb8;
	[tilespmem:$0x10BA0] =	vst v63  }
0xab: {  	_ =	swait.ge @!p1 [sflag:s29], $0x800  }
0xac: {  	s24 =	sshra.s32 s20, $0x2;
	[sflag:s29] =	ssyncset.done @!p1 $0x0  }
0xad: {  	s6 =	sadd.s32 $0x80, s24;
	[sflag:s29] =	ssyncadd.s32 @!p1 $0xFFFFF800  }
0xae: {  	[tilespmem:s13], [sflag:$0x4] =	stream.indirect.gather [spmem:s2], $0x20, s6, s11, $0xb8;
	[tilespmem:$0x10BA0] =	vst v63  }
0xaf: {  	_ =	swait.ge [sflag:s14], $0x1000  }
0xb0: {  	[sflag:s14] =	ssyncset.done $0x0  }
0xb1: {  	s10 =	sadd.s32 $0x800, s24;
	[sflag:s14] =	ssyncadd.s32 $0xFFFFF000  }
0xb2: {  	[spmem:s3] =	stream.indirect.scatter.add.bf16 [tilespmem:s31], [sflag:$0x6], $0x20, s10, s11, $0xb8;
	[tilespmem:$0x10BA0] =	vst v63  }
0xb3: {  	_ =	swait.ge [sflag:s4], $0x1000  }
0xb4: {  	s29 =	simm.s32 @!p0 $0x6;
	[sflag:s4] =	ssyncset.done $0x0  }
0xb5: {  	s12 =	simm.s32 @!p0 $0x4000;
	s6 =	simm.s32 @!p0 $0x80;
	[sflag:s4] =	ssyncadd.s32 $0xFFFFF000  }
0xb6: {  	[spmem:s5] =	stream.indirect.scatter.add.f32 @!p0 [tilespmem:s12], [sflag:$0x6], $0x10, s10, s6, $0xb8;
	[tilespmem:$0x10BA0] =	vst v63  }
0xb7: {  	_ =	swait.ge @!p0 [sflag:s29], $0x800  }
0xb8: {  	[sflag:s29] =	ssyncset.done @!p0 $0x0  }
0xb9: {  	s18 =	sadd.s32 $0x100, s24;
	[sflag:s29] =	ssyncadd.s32 @!p0 $0xFFFFF800  }
0xba: {  	[tilespmem:s31], [sflag:$0x3] =	stream.indirect.gather [spmem:s2], $0x20, s18, s11, $0xb8;
	[tilespmem:$0x10BA0] =	vst v63  }
0xbb: {  	_ =	swait.ge [sflag:s15], $0x1000  }
0xbc: {  	[sflag:s15] =	ssyncset.done $0x0  }
0xbd: {  	s10 =	sadd.s32 $0x880, s24;
	[sflag:s15] =	ssyncadd.s32 $0xFFFFF000  }
0xbe: {  	[spmem:s3] =	stream.indirect.scatter.add.bf16 [tilespmem:s13], [sflag:$0x6], $0x20, s10, s11, $0xb8;
	[tilespmem:$0x10BA0] =	vst v63  }
0xbf: {  	_ =	swait.ge [sflag:s4], $0x1000  }
0xc0: {  	s17 =	simm.s32 @!p1 $0x5;
	[sflag:s4] =	ssyncset.done $0x0  }
0xc1: {  	s30 =	simm.s32 @!p1 $0x80;
	s24 =	simm.s32 @!p1 $0x4000;
	[sflag:s4] =	ssyncadd.s32 $0xFFFFF000  }
0xc2: {  	[spmem:s5] =	stream.indirect.scatter.add.f32 @!p1 [tilespmem:s24], [sflag:$0x5], $0x10, s10, s30, $0xb8;
	[tilespmem:$0x10BA0] =	vst v63  }
0xc3: {  	_ =	swait.ge @!p1 [sflag:s17], $0x800  }
0xc4: {  	[sflag:s17] =	ssyncset.done @!p1 $0x0  }
0xc5: {  	s20 =	simm.s32 $0x780;
	[sflag:s17] =	ssyncadd.s32 @!p1 $0xFFFFF800  }
0xc6: {  	[tilespmem:s13], [sflag:$0x4] =	stream.indirect.gather [spmem:s2], $0x20, s20, s11, $0xb8;
	[tilespmem:$0x10BA0] =	vst v63  }
0xc7: {  	_ =	swait.ge [sflag:s14], $0x1000  }
0xc8: {  	[sflag:s14] =	ssyncset.done $0x0  }
0xc9: {  	s16 =	simm.s32 $0xF00;
	[sflag:s14] =	ssyncadd.s32 $0xFFFFF000  }
0xca: {  	[spmem:s3] =	stream.indirect.scatter.add.bf16 [tilespmem:s31], [sflag:$0x6], $0x20, s16, s11, $0xb8;
	[tilespmem:$0x10BA0] =	vst v63  }
0xcb: {  	_ =	swait.ge [sflag:s4], $0x1000  }
0xcc: {  	[sflag:s4] =	ssyncset.done $0x0  }
0xcd: {  	s10 =	simm.s32 @p0 $0x4;
	[sflag:s4] =	ssyncadd.s32 $0xFFFFF000  }
0xce: {  	_ =	swait.ge @p0 [sflag:s10], $0x1000  }
0xcf: {  	s18 =	simm.s32 @p0 $0x3000;
	[sflag:s10] =	ssyncset.done @p0 $0x0  }
0xd0: {  	s16 =	simm.s32 @p0 $0xF80;
	[sflag:s10] =	ssyncadd.s32 @p0 $0xFFFFF000;
	s10 =	simm.s32 @p0 $0x80  }
0xd1: {  	[spmem:s3] =	stream.indirect.scatter.add.bf16 @p0 [tilespmem:s18], [sflag:$0x6], $0x20, s16, s10, $0xb8;
	[tilespmem:$0x10BA0] =	vst v63  }
0xd2: {  	s18 =	simm.s32 @p0 $0x6  }
0xd3: {  	_ =	swait.ge @p0 [sflag:s18], $0x1000  }
0xd4: {  	[sflag:s18] =	ssyncset.done @p0 $0x0  }
0xd5: {  	[sflag:s18] =	ssyncadd.s32 @p0 $0xFFFFF000;
	s18 =	simm.s32 @p0 $0x4000  }
0xd6: {  	[spmem:s5] =	stream.indirect.scatter.add.f32 @p0 [tilespmem:s18], [sflag:$0x5], $0x10, s16, s10, $0xb8;
	[tilespmem:$0x10BA0] =	vst v63  }
0xd7: {  	s10 =	simm.s32 @p0 $0x5  }
0xd8: {  	_ =	swait.ge @p0 [sflag:s10], $0x800  }
0xd9: {  	[sflag:s10] =	ssyncset.done @p0 $0x0  }
0xda: {  	[sflag:s10] =	ssyncadd.s32 @p0 $0xFFFFF800;
	s10 =	simm.s32 @!p0 $0xF00  }
0xdb: {  	[spmem:s5] =	stream.indirect.scatter.add.f32 @!p0 [tilespmem:s12], [sflag:$0x6], $0x10, s10, s6, $0xb8;
	[tilespmem:$0x10BA0] =	vst v63  }
0xdc: {  	_ =	swait.ge @!p0 [sflag:s29], $0x800  }
0xdd: {  	[sflag:s29] =	ssyncset.done @!p0 $0x0  }
0xde: {  	s10 =	simm.s32 @!p0 $0x4;
	[sflag:s29] =	ssyncadd.s32 @!p0 $0xFFFFF800  }
0xdf: {  	_ =	swait.ge @!p0 [sflag:s10], $0x1000  }
0xe0: {  	[sflag:s10] =	ssyncset.done @!p0 $0x0  }
0xe1: {  	s16 =	simm.s32 @!p0 $0x3000;
	[sflag:s10] =	ssyncadd.s32 @!p0 $0xFFFFF000;
	s10 =	simm.s32 @!p0 $0xF80  }
0xe2: {  	[spmem:s3] =	stream.indirect.scatter.add.bf16 @!p0 [tilespmem:s16], [sflag:$0x6], $0x20, s10, s6, $0xb8;
	[tilespmem:$0x10BA0] =	vst v63  }
0xe3: {  	_ =	swait.ge @!p0 [sflag:s29], $0x1000  }
0xe4: {  	[sflag:s29] =	ssyncset.done @!p0 $0x0  }
0xe5: {  	[sflag:s29] =	ssyncadd.s32 @!p0 $0xFFFFF000  }
0xe6: {  	_ =	swait.ge [sflag:s19], $0x800  }
0xe7: {  	[sflag:s19] =	ssyncset.done $0x0  }
0xe8: {  	p3 =	seq.s32 s26, $0x4;
	[sflag:s19] =	ssyncadd.s32 $0xFFFFF800  }
0xe9: {  	s10 =	sadd.s32 @!p3 s28, s23;
	_ =	swait.ge [sflag:s19], $0x800  }
0xea: {  	s10 =	sshrl.u32 @!p3 s10, $0x3;
	[sflag:s19] =	ssyncset.done $0x0  }
0xeb: {  	s18 =	simm.s32 @!p3 $0x0;
	s16 =	sadd.s32 @!p3 s1, s10;
	[sflag:s19] =	ssyncadd.s32 $0xFFFFF800  }
0xec: {  	[tilespmem:s18], [sflag:$0x1] =	stream.linear.gather @!p3 [hbm4b:s16+s18], $0x800, $0x38;
	[tilespmem:$0x10BA0] =	vst v63  }
0xed: {  	s10 =	sadd.s32 @!p3 s7, s10;
	s16 =	simm.s32 @!p3 $0x800  }
0xee: {  	[tilespmem:s16], [sflag:$0x1] =	stream.linear.gather @!p3 [hbm4b:s10+s18], $0x800, $0x38;
	[tilespmem:$0x10BA0] =	vst v63  }
0xef: {  	_ = 	snop  }
0xf0: {  	[tilespmem:s31], [sflag:$0x3] =	stream.indirect.gather [spmem:s2], $0x20, s9, s11, $0xb8;
	[tilespmem:$0x10BA0] =	vst v63  }
0xf1: {  	s18 =	simm.s32 $0x1080  }
0xf2: {  	[tilespmem:s13], [sflag:$0x4] =	stream.indirect.gather [spmem:s2], $0x20, s18, s11, $0xb8;
	[tilespmem:$0x10BA0] =	vst v63  }
0xf3: {  	_ =	swait.ge [sflag:s14], $0x1000  }
0xf4: {  	[sflag:s14] =	ssyncset.done $0x0  }
0xf5: {  	s10 =	simm.s32 $0x1800;
	[sflag:s14] =	ssyncadd.s32 $0xFFFFF000  }
0xf6: {  	[spmem:s3] =	stream.indirect.scatter.add.bf16 [tilespmem:s31], [sflag:$0x6], $0x20, s10, s11, $0xb8;
	[tilespmem:$0x10BA0] =	vst v63  }
0xf7: {  	_ =	swait.ge [sflag:s4], $0x1000  }
0xf8: {  	[sflag:s4] =	ssyncset.done $0x0  }
0xf9: {  	[sflag:s4] =	ssyncadd.s32 $0xFFFFF000  }
0xfa: {  	[spmem:s5] =	stream.indirect.scatter.add.f32 @!p0 [tilespmem:s12], [sflag:$0x6], $0x10, s10, s6, $0xb8;
	[tilespmem:$0x10BA0] =	vst v63  }
0xfb: {  	_ =	swait.ge @!p0 [sflag:s29], $0x800  }
0xfc: {  	[sflag:s29] =	ssyncset.done @!p0 $0x0  }
0xfd: {  	s20 =	simm.s32 $0x1100;
	[sflag:s29] =	ssyncadd.s32 @!p0 $0xFFFFF800  }
0xfe: {  	[tilespmem:s31], [sflag:$0x3] =	stream.indirect.gather [spmem:s2], $0x20, s20, s11, $0xb8;
	[tilespmem:$0x10BA0] =	vst v63  }
0xff: {  	_ =	swait.ge [sflag:s15], $0x1000  }
0x100: {  	[sflag:s15] =	ssyncset.done $0x0  }
0x101: {  	s10 =	simm.s32 $0x1880;
	[sflag:s15] =	ssyncadd.s32 $0xFFFFF000  }
0x102: {  	[spmem:s3] =	stream.indirect.scatter.add.bf16 [tilespmem:s13], [sflag:$0x6], $0x20, s10, s11, $0xb8;
	[tilespmem:$0x10BA0] =	vst v63  }
0x103: {  	_ =	swait.ge [sflag:s4], $0x1000  }
0x104: {  	[sflag:s4] =	ssyncset.done $0x0  }
0x105: {  	[sflag:s4] =	ssyncadd.s32 $0xFFFFF000  }
0x106: {  	[spmem:s5] =	stream.indirect.scatter.add.f32 @!p1 [tilespmem:s24], [sflag:$0x5], $0x10, s10, s30, $0xb8;
	[tilespmem:$0x10BA0] =	vst v63  }
0x107: {  	_ =	swait.ge @!p1 [sflag:s17], $0x800  }
0x108: {  	s28 =	simm.s32 $0x100;
	s10 =	simm.s32 $0x800;
	[sflag:s17] =	ssyncset.done @!p1 $0x0  }
.LBB2_11:
0x109: {  	s16 =	sadd.s32 $0x1080, s28  }
0x10a: {  	[sflag:s17] =	ssyncadd.s32 @!p1 $0xFFFFF800;
	s18 =	smov.u32 s10;
	s10 =	sadd.s32 $0x400, s10  }
0x10b: {  	[tilespmem:s13], [sflag:$0x4] =	stream.indirect.gather [spmem:s2], $0x20, s16, s11, $0xb8;
	[tilespmem:$0x10BA0] =	vst v63  }
0x10c: {  	p3 =	sne.s32 s10, $0x1C00;
	_ =	swait.ge [sflag:s14], $0x1000  }
0x10d: {  	[sflag:s14] =	ssyncset.done $0x0  }
0x10e: {  	s16 =	sadd.s32 $0x1800, s28;
	[sflag:s14] =	ssyncadd.s32 $0xFFFFF000  }
0x10f: {  	[spmem:s3] =	stream.indirect.scatter.add.bf16 [tilespmem:s31], [sflag:$0x6], $0x20, s16, s11, $0xb8;
	[tilespmem:$0x10BA0] =	vst v63  }
0x110: {  	_ =	swait.ge [sflag:s4], $0x1000  }
0x111: {  	[sflag:s4] =	ssyncset.done $0x0  }
0x112: {  	[sflag:s4] =	ssyncadd.s32 $0xFFFFF000  }
0x113: {  	[spmem:s5] =	stream.indirect.scatter.add.f32 @!p0 [tilespmem:s12], [sflag:$0x6], $0x10, s16, s6, $0xb8;
	[tilespmem:$0x10BA0] =	vst v63  }
0x114: {  	_ =	swait.ge @!p0 [sflag:s29], $0x800  }
0x115: {  	[sflag:s29] =	ssyncset.done @!p0 $0x0  }
0x116: {  	s16 =	sadd.s32 $0x1100, s28;
	[sflag:s29] =	ssyncadd.s32 @!p0 $0xFFFFF800  }
0x117: {  	[tilespmem:s31], [sflag:$0x3] =	stream.indirect.gather [spmem:s2], $0x20, s16, s11, $0xb8;
	[tilespmem:$0x10BA0] =	vst v63  }
0x118: {  	_ =	swait.ge [sflag:s15], $0x1000  }
0x119: {  	[sflag:s15] =	ssyncset.done $0x0  }
0x11a: {  	s16 =	sadd.s32 $0x1880, s28;
	[sflag:s15] =	ssyncadd.s32 $0xFFFFF000  }
0x11b: {  	[spmem:s3] =	stream.indirect.scatter.add.bf16 [tilespmem:s13], [sflag:$0x6], $0x20, s16, s11, $0xb8;
	[tilespmem:$0x10BA0] =	vst v63  }
0x11c: {  	_ =	swait.ge [sflag:s4], $0x1000  }
.Ltmp4:
0x11d: {  	[sflag:s4] =	ssyncset.done $0x0;
	(pc) =	sbr.rel @p3 .LBB2_11-.Ltmp4, $4  }
0x11e: {  	[sflag:s4] =	ssyncadd.s32 $0xFFFFF000  }
0x11f: {  	[spmem:s5] =	stream.indirect.scatter.add.f32 @!p1 [tilespmem:s24], [sflag:$0x5], $0x10, s16, s30, $0xb8;
	[tilespmem:$0x10BA0] =	vst v63  }
0x120: {  	_ =	swait.ge @!p1 [sflag:s17], $0x800  }
0x121: {  	s28 =	sshra.s32 s18, $0x2;
	[sflag:s17] =	ssyncset.done @!p1 $0x0  }
0x122: {  	s6 =	sadd.s32 $0x1080, s28;
	[sflag:s17] =	ssyncadd.s32 @!p1 $0xFFFFF800  }
0x123: {  	[tilespmem:s13], [sflag:$0x4] =	stream.indirect.gather [spmem:s2], $0x20, s6, s11, $0xb8;
	[tilespmem:$0x10BA0] =	vst v63  }
0x124: {  	_ =	swait.ge [sflag:s14], $0x1000  }
0x125: {  	[sflag:s14] =	ssyncset.done $0x0  }
0x126: {  	s10 =	sadd.s32 $0x1800, s28;
	[sflag:s14] =	ssyncadd.s32 $0xFFFFF000  }
0x127: {  	[spmem:s3] =	stream.indirect.scatter.add.bf16 [tilespmem:s31], [sflag:$0x6], $0x20, s10, s11, $0xb8;
	[tilespmem:$0x10BA0] =	vst v63  }
0x128: {  	_ =	swait.ge [sflag:s4], $0x1000  }
0x129: {  	s12 =	simm.s32 @!p0 $0x80;
	[sflag:s4] =	ssyncset.done $0x0  }
0x12a: {  	s16 =	simm.s32 @!p0 $0x4000;
	s6 =	simm.s32 @!p0 $0x6;
	[sflag:s4] =	ssyncadd.s32 $0xFFFFF000  }
0x12b: {  	[spmem:s5] =	stream.indirect.scatter.add.f32 @!p0 [tilespmem:s16], [sflag:$0x6], $0x10, s10, s12, $0xb8;
	[tilespmem:$0x10BA0] =	vst v63  }
0x12c: {  	_ =	swait.ge @!p0 [sflag:s6], $0x800  }
0x12d: {  	[sflag:s6] =	ssyncset.done @!p0 $0x0  }
0x12e: {  	s29 =	sadd.s32 $0x1100, s28;
	[sflag:s6] =	ssyncadd.s32 @!p0 $0xFFFFF800  }
0x12f: {  	[tilespmem:s31], [sflag:$0x3] =	stream.indirect.gather [spmem:s2], $0x20, s29, s11, $0xb8;
	[tilespmem:$0x10BA0] =	vst v63  }
0x130: {  	_ =	swait.ge [sflag:s15], $0x1000  }
0x131: {  	[sflag:s15] =	ssyncset.done $0x0  }
0x132: {  	s10 =	sadd.s32 $0x1880, s28;
	[sflag:s15] =	ssyncadd.s32 $0xFFFFF000  }
0x133: {  	[spmem:s3] =	stream.indirect.scatter.add.bf16 [tilespmem:s13], [sflag:$0x6], $0x20, s10, s11, $0xb8;
	[tilespmem:$0x10BA0] =	vst v63  }
0x134: {  	_ =	swait.ge [sflag:s4], $0x1000  }
0x135: {  	s17 =	simm.s32 @!p1 $0x5;
	[sflag:s4] =	ssyncset.done $0x0  }
0x136: {  	s18 =	simm.s32 @!p1 $0x80;
	s20 =	simm.s32 @!p1 $0x4000;
	[sflag:s4] =	ssyncadd.s32 $0xFFFFF000  }
0x137: {  	[spmem:s5] =	stream.indirect.scatter.add.f32 @!p1 [tilespmem:s20], [sflag:$0x5], $0x10, s10, s18, $0xb8;
	[tilespmem:$0x10BA0] =	vst v63  }
0x138: {  	_ =	swait.ge @!p1 [sflag:s17], $0x800  }
0x139: {  	[sflag:s17] =	ssyncset.done @!p1 $0x0  }
0x13a: {  	s30 =	simm.s32 $0x1780;
	[sflag:s17] =	ssyncadd.s32 @!p1 $0xFFFFF800  }
0x13b: {  	[tilespmem:s13], [sflag:$0x4] =	stream.indirect.gather [spmem:s2], $0x20, s30, s11, $0xb8;
	[tilespmem:$0x10BA0] =	vst v63  }
0x13c: {  	_ =	swait.ge [sflag:s14], $0x1000  }
0x13d: {  	[sflag:s14] =	ssyncset.done $0x0  }
0x13e: {  	[sflag:s14] =	ssyncadd.s32 $0xFFFFF000  }
0x13f: {  	[spmem:s3] =	stream.indirect.scatter.add.bf16 [tilespmem:s31], [sflag:$0x6], $0x20, s21, s11, $0xb8;
	[tilespmem:$0x10BA0] =	vst v63  }
0x140: {  	_ =	swait.ge [sflag:s4], $0x1000  }
0x141: {  	[sflag:s4] =	ssyncset.done $0x0  }
0x142: {  	s10 =	simm.s32 @p0 $0x4;
	[sflag:s4] =	ssyncadd.s32 $0xFFFFF000  }
0x143: {  	_ =	swait.ge @p0 [sflag:s10], $0x1000  }
0x144: {  	s18 =	simm.s32 @p0 $0x3000;
	[sflag:s10] =	ssyncset.done @p0 $0x0  }
0x145: {  	s17 =	simm.s32 @p0 $0x1F80;
	[sflag:s10] =	ssyncadd.s32 @p0 $0xFFFFF000;
	s10 =	simm.s32 @p0 $0x80  }
0x146: {  	[spmem:s3] =	stream.indirect.scatter.add.bf16 @p0 [tilespmem:s18], [sflag:$0x6], $0x20, s17, s10, $0xb8;
	[tilespmem:$0x10BA0] =	vst v63  }
0x147: {  	s18 =	simm.s32 @p0 $0x6  }
0x148: {  	_ =	swait.ge @p0 [sflag:s18], $0x1000  }
0x149: {  	[sflag:s18] =	ssyncset.done @p0 $0x0  }
0x14a: {  	[sflag:s18] =	ssyncadd.s32 @p0 $0xFFFFF000;
	s18 =	simm.s32 @p0 $0x4000  }
0x14b: {  	[spmem:s5] =	stream.indirect.scatter.add.f32 @p0 [tilespmem:s18], [sflag:$0x5], $0x10, s17, s10, $0xb8;
	[tilespmem:$0x10BA0] =	vst v63  }
0x14c: {  	s10 =	simm.s32 @p0 $0x5  }
0x14d: {  	_ =	swait.ge @p0 [sflag:s10], $0x800  }
0x14e: {  	[sflag:s10] =	ssyncset.done @p0 $0x0  }
0x14f: {  	[sflag:s10] =	ssyncadd.s32 @p0 $0xFFFFF800;
	s10 =	simm.s32 @!p0 $0x1F00  }
0x150: {  	[spmem:s5] =	stream.indirect.scatter.add.f32 @!p0 [tilespmem:s16], [sflag:$0x6], $0x10, s10, s12, $0xb8;
	[tilespmem:$0x10BA0] =	vst v63  }
0x151: {  	_ =	swait.ge @!p0 [sflag:s6], $0x800  }
0x152: {  	[sflag:s6] =	ssyncset.done @!p0 $0x0  }
0x153: {  	s10 =	simm.s32 @!p0 $0x4;
	[sflag:s6] =	ssyncadd.s32 @!p0 $0xFFFFF800  }
0x154: {  	s26 =	sadd.s32 $0x1, s26;
	_ =	swait.ge @!p0 [sflag:s10], $0x1000  }
0x155: {  	p3 =	sne.s32 s26, $0x5;
	s16 =	simm.s32 @!p0 $0x3000;
	[sflag:s10] =	ssyncset.done @!p0 $0x0  }
.Ltmp5:
0x156: {  	[sflag:s10] =	ssyncadd.s32 @!p0 $0xFFFFF000;
	s10 =	simm.s32 @!p0 $0x1F80;
	(pc) =	sbr.rel @p3 .LBB2_8-.Ltmp5, $4  }
0x157: {  	[spmem:s3] =	stream.indirect.scatter.add.bf16 @!p0 [tilespmem:s16], [sflag:$0x6], $0x20, s10, s12, $0xb8;
	[tilespmem:$0x10BA0] =	vst v63  }
0x158: {  	_ =	swait.ge @!p0 [sflag:s6], $0x1000  }
0x159: {  	[sflag:s6] =	ssyncset.done @!p0 $0x0  }
0x15a: {  	[sflag:s6] =	ssyncadd.s32 @!p0 $0xFFFFF000  }
0x15b: {  	s18 =	stileid.u32;
	[bflag:$0x0] =	sbarrier.arrive $0xFFFF  }
0x15c: {  	s16 =	simm.s32 $0x8;
	s6 =	sshll.u32 s18, $0x6;
	s24 =	rddreg [dreg:$0xa]  }
0x15d: {  	s12 =	rddreg [dreg:$0x14];
	s6 =	sor.u32 $0x1C05, s6;
	s10 =	sshrl.u32 s24, $0x3  }
0x15e: {  	[hbm:s12@s16], [sflag:s6] =	dma.strided [spmem:s10@s15], $0x9C8, s8, $0x4   }
0x15f: {  	_ =	swait.ge [sflag:s0], $0x9C8  }
0x160: {  	[sflag:s0] =	ssyncset.done $0x0;
	s25 =	rddreg [dreg:$0xf]  }
0x161: {  	s28 =	rddreg [dreg:$0x15];
	[sflag:s0] =	ssyncadd.s32 $0xFFFFF638;
	s26 =	sshrl.u32 s25, $0x3  }
0x162: {  	[hbm:s28], [sflag:s6] =	dma.local [spmem:s26], $0x4E4  }
0x163: {  	_ =	swait.ge [sflag:s0], $0x4E4  }
0x164: {  	s29 =	rddreg [dreg:$0x19]  }
0x165: {  	s30 =	rddreg [dreg:$0x16];
	s10 =	sadd.s32 $0x1, s29  }
0x166: {  	p3 =	sne.s32 s10, s30  }
.Ltmp6:
0x167: {  	_ = 	snop;
	(pc) =	sbr.rel @p3 .LBB2_1-.Ltmp6, $3  }
0x168: {  	_ =	sdelay $0x1  }
0x169: {  	[sflag:s0] =	ssyncset.done $0x0  }
0x16a: {  	[sflag:s0] =	ssyncadd.s32 $0xFFFFFB1C  }
0x16b: {  	_ =	sfence.sel $0x180000  }
0x16c: {  	[bflag:$0x0] =	sbarrier.arrive $0xFFFF  }
0x16d: {  	_ =	strace $0x90000047  }
0x16e: {  	[bflag:$0x2] =	sbarrier.arrive $0xFFFF  }
0x16f: {  	p0 =	sne.s32 s18, $0x0;
	s0 =	rddreg [dreg:$0x5]  }
0x170: {  	s0 =	sadd.s32 @!p0 $0x100000, s0  }
0x171: {  	[sflag:s0] =	ssyncadd.tile.s32 @!p0 $0x1;
	_ =	shalt  }
.Lfunc_end2:
_tile_overlayer_lowered:
.L_overlay_start_2:
0x172: {  	(tag) =	ssettag $0x2  }
0x173: {  	s0 =	rddreg [dreg:$0x0];
	s2 =	stileid.u32  }
0x174: {  	s1 =	rddreg [dreg:$0x1];
	p0 =	sne.s32 s2, $0x0  }
0x175: {  	s3 =	rddreg [dreg:$0x2];
	[bflag:$0x3] =	sbarrier.arrive $0xFFFF;
	s2 =	simm.s32 @!p0 $0x1C05  }
0x176: {  	[timem:s3], [sflag:s2] =	dma.local @!p0 [hbm:s0], s1  }
0x177: {  	s0 =	simm.s32 @!p0 $0x5  }
0x178: {  	_ =	swait.ge @!p0 [sflag:s0], s1  }
0x179: {  	s1 =	ssub.s32 @!p0 $0x0, s1;
	[sflag:s0] =	ssyncset.done @!p0 $0x0  }
0x17a: {  	[sflag:s0] =	ssyncadd.s32 @!p0 s1  }
0x17b: {  	[bflag:$0x3] =	sbarrier.arrive $0xFFFF  }
0x17c: {  	_ =	shalt  }

// kernel: kernel.9.cloned.1.call-start
scs
__scs_entry_jumppad:
0x0: {  	(pc) =	sbr.rel $0x88, $3  }
0x1: {  	(tag) =	ssettag $0x0;
	lr =	simm.s32 $0x1  }
0x2: {  	[smem:$0x3F99] =	sst lr;
	_ =	strace $0xD0000000  }
0x3: {  	_ = 	snop  }
0x4: {  	_ = 	snop  }
0x5: {  	_ = 	snop  }
0x6: {  	_ = 	snop  }
0x7: {  	_ = 	snop  }
__scs_overlays_trampoline_lowered:
0x8: {  	[smem:$0x3FA8] =	sst s0  }
0x9: {  	[smem:$0x3FA9] =	sst s1  }
0xa: {  	[smem:$0x3FAA] =	sst s2  }
0xb: {  	[smem:$0x3FAB] =	sst s3  }
0xc: {  	[smem:$0x3FAC] =	sst s4  }
0xd: {  	[smem:$0x3FAD] =	sst s5  }
0xe: {  	[smem:$0x3FAE] =	sst s6  }
0xf: {  	[smem:$0x3FAF] =	sst s7  }
0x10: {  	[smem:$0x3FB0] =	sst s8  }
0x11: {  	[smem:$0x3FB1] =	sst s9;
	s0 =	simm.s32 @!p0 $0x0  }
0x12: {  	s1 =	sld [smem:$0x3F97];
	s0 =	simm.s32 @p0 $0x1  }
0x13: {  	[smem:$0x3FB2] =	sst s0;
	s0 =	simm.s32 @!p1 $0x0  }
0x14: {  	s2 =	sld [smem:$0x3F96];
	s0 =	simm.s32 @p1 $0x1  }
0x15: {  	[smem:$0x3FB3] =	sst s0;
	s0 =	simm.s32 @!p2 $0x0  }
0x16: {  	s3 =	sld [smem:$0x3FDB];
	s0 =	simm.s32 @p2 $0x1  }
0x17: {  	s4 =	simm.s32 $0x1BF5;
	[smem:$0x3FB5] =	sst s0  }
0x18: {  	s0 =	sld [smem:$0x3F98];
	_ =	swait.ge [sflag:s4], $0x0  }
0x19: {  	s7 =	sld [smem:$0x3F99]  }
0x1a: {  	s8 =	sadd.s32 $0xFFFFE003, lr  }
0x1b: {  	s9 =	sadd.s32 $0xFFFFFEF7, lr;
	s5 =	simm.s32 $0xFFFFFFFF;
	p2 =	slt.u32 s8, $0xFFFFF086  }
0x1c: {  	p1 =	slt.u32 s9, $0xF7A;
	s5 =	simm.s32 @!p2 $0x0  }
0x1d: {  	s5 =	simm.s32 @p1 $0x1;
	p0 =	seq.s32 s7, s2  }
0x1e: {  	s7 =	smul.u32 @!p0 $0xF7A, s2;
	p2 =	seq.s32 @!p0 s5, $0x0  }
0x1f: {  	s9 =	smul.u32 $0xF7A, s1;
	s8 =	simm.s32 @!p0 $0x1BF5;
	p2 =	por !p2, p0  }
0x20: {  	[sflag:s8] =	ssyncset.s32 @!p0 $0xFFFFF086;
	s6 =	sadd.s32 @!p0 s3, s7;
	s7 =	simm.s32 @!p0 $0x108  }
0x21: {  	s3 =	sadd.s32 s3, s9;
	s6 =	sadd.s32 @!p0 $0x88, s6;
	s7 =	simm.s32 @p2 $0x1082  }
0x22: {  	[simem:s7], [sflag:s8] =	dma.local @!p0 [hbm:s6], $0xF7A  }
0x23: {  	s9 =	sor.u32 $0xD0000000, s2;
	s6 =	simm.s32 $0x108;
	_ =	swait.ge @!p0 [sflag:s8], $0x0  }
0x24: {  	s3 =	sadd.s32 $0x88, s3;
	s6 =	simm.s32 @!p1 $0x1082;
	[sflag:s4] =	ssyncset.s32 $0xFFFFF086  }
0x25: {  	[simem:s6], [sflag:s4] =	dma.local [hbm:s3], $0xF7A  }
0x26: {  	[smem:$0x3F99] =	sst s1;
	(tag) =	ssettag s2;
	_ =	strace s9  }
0x27: {  	s1 =	sld [smem:$0x3FA9]  }
0x28: {  	s2 =	sld [smem:$0x3FAA]  }
0x29: {  	s4 =	sld [smem:$0x3FAC]  }
0x2a: {  	p0 =	seq.s32 s5, $0x0;
	s5 =	sld [smem:$0x3FAD]  }
0x2b: {  	s6 =	sld [smem:$0x3FAE]  }
0x2c: {  	s7 =	sld [smem:$0x3FAF]  }
0x2d: {  	s3 =	simm.s32 $0x108;
	s8 =	sld [smem:$0x3FB0]  }
0x2e: {  	s3 =	simm.s32 @!p0 $0x1082;
	s9 =	sld [smem:$0x3FB1]  }
0x2f: {  	lr =	sadd.s32 s0, s3;
	s0 =	sld [smem:$0x3FA8]  }
0x30: {  	s3 =	sld [smem:$0x3FAB]  }
0x31: {  	[smem:$0x3FB4] =	sst s10  }
0x32: {  	s10 =	sld [smem:$0x3FB2];
	_ =	sdelay $0x3  }
0x33: {  	p0 =	seq.s32 s10, $0x1;
	s10 =	sld [smem:$0x3FB4];
	_ =	sdelay $0x3  }
0x34: {  	[smem:$0x3FB4] =	sst s10  }
0x35: {  	s10 =	sld [smem:$0x3FB3];
	_ =	sdelay $0x3  }
0x36: {  	p1 =	seq.s32 s10, $0x1;
	s10 =	sld [smem:$0x3FB4];
	_ =	sdelay $0x3  }
0x37: {  	[smem:$0x3FB4] =	sst s10  }
0x38: {  	s10 =	sld [smem:$0x3FB5]  }
0x39: {  	_ = 	snop;
	(pc) =	sbr.ind lr, $3  }
0x3a: {  	_ = 	snop  }
0x3b: {  	_ = 	snop  }
0x3c: {  	p2 =	seq.s32 s10, $0x1;
	s10 =	sld [smem:$0x3FB4]  }
0x3d: {  	_ =	shalt  }
0x3e: {  	_ =	shalt  }
0x3f: {  	_ =	shalt  }
0x40: {  	_ =	shalt  }
0x41: {  	_ =	shalt  }
0x42: {  	_ =	shalt  }
0x43: {  	_ =	shalt  }
0x44: {  	_ =	shalt  }
0x45: {  	_ =	shalt  }
0x46: {  	_ =	shalt  }
0x47: {  	_ =	shalt  }
0x48: {  	_ =	shalt  }
0x49: {  	_ =	shalt  }
0x4a: {  	_ =	shalt  }
0x4b: {  	_ =	shalt  }
0x4c: {  	_ =	shalt  }
0x4d: {  	_ =	shalt  }
0x4e: {  	_ =	shalt  }
0x4f: {  	_ =	shalt  }
0x50: {  	_ =	shalt  }
0x51: {  	_ =	shalt  }
0x52: {  	_ =	shalt  }
0x53: {  	_ =	shalt  }
0x54: {  	_ =	shalt  }
0x55: {  	_ =	shalt  }
0x56: {  	_ =	shalt  }
0x57: {  	_ =	shalt  }
0x58: {  	_ =	shalt  }
0x59: {  	_ =	shalt  }
0x5a: {  	_ =	shalt  }
0x5b: {  	_ =	shalt  }
0x5c: {  	_ =	shalt  }
0x5d: {  	_ =	shalt  }
0x5e: {  	_ =	shalt  }
0x5f: {  	_ =	shalt  }
0x60: {  	_ =	shalt  }
0x61: {  	_ =	shalt  }
0x62: {  	_ =	shalt  }
0x63: {  	_ =	shalt  }
0x64: {  	_ =	shalt  }
0x65: {  	_ =	shalt  }
0x66: {  	_ =	shalt  }
0x67: {  	_ =	shalt  }
0x68: {  	_ =	shalt  }
0x69: {  	_ =	shalt  }
0x6a: {  	_ =	shalt  }
0x6b: {  	_ =	shalt  }
0x6c: {  	_ =	shalt  }
0x6d: {  	_ =	shalt  }
0x6e: {  	_ =	shalt  }
0x6f: {  	_ =	shalt  }
0x70: {  	_ =	shalt  }
0x71: {  	_ =	shalt  }
0x72: {  	_ =	shalt  }
0x73: {  	_ =	shalt  }
0x74: {  	_ =	shalt  }
0x75: {  	_ =	shalt  }
0x76: {  	_ =	shalt  }
0x77: {  	_ =	shalt  }
0x78: {  	_ =	shalt  }
0x79: {  	_ =	shalt  }
0x7a: {  	_ =	shalt  }
0x7b: {  	_ =	shalt  }
0x7c: {  	_ =	shalt  }
0x7d: {  	_ =	shalt  }
0x7e: {  	_ =	shalt  }
0x7f: {  	_ =	shalt  }
0x80: {  	_ =	shalt  }
0x81: {  	_ =	shalt  }
0x82: {  	_ =	shalt  }
0x83: {  	_ =	shalt  }
0x84: {  	_ =	shalt  }
0x85: {  	_ =	shalt  }
0x86: {  	_ =	shalt  }
0x87: {  	_ =	shalt  }
.Lfunc_end0:
.L_simem_size_0:
called_computation.1_lowered:
.L_overlay_start_0:
0x88: {  	s2 =	sld [smem:$0x3FD9]  }
0x89: {  	s3 =	sld [smem:$0x3FFE];
	_ =	sdelay $0x1  }
0x8a: {  	s1 =	srdreg.scid  }
0x8b: {  	s0 =	sand.u32 $0x1, s1  }
0x8c: {  	s17 =	sshll.u32 s0, $0xA;
	s2 =	sadd.s32 s3, s2  }
0x8d: {  	s2 =	sadd.s32 s2, s17  }
0x8e: {  	[smem:$0x3FC0] =	sst s2  }
0x8f: {  	_ = 	snop  }
0x90: {  	s2 =	sld [smem:$0x3FD0];
	(tm) =	ssettm $0x1  }
0x91: {  	s18 =	sld [smem:$0x3FFB];
	_ =	sdelay $0x3  }
0x92: {  	_ =	strace s18  }
0x93: {  	s3 =	sld [smem:$0x3FFC];
	_ =	sdelay $0x3  }
0x94: {  	_ =	strace s3  }
0x95: {  	s3 =	sld [smem:$0x3FFD];
	_ =	sdelay $0x3  }
0x96: {  	_ =	strace s3  }
0x97: {  	_ =	strace $0x8FFFFFFF  }
0x98: {  	s19 =	sld [smem:$0x3FDB];
	_ =	sdelay $0x1  }
0x99: {  	s4 =	simm.s32 $_scs_section_size  }
0x9a: {  	s5 =	simm.s32 $_size__tile_overlayer_lowered;
	s6 =	simm.s32 $_tile_overlayer_lowered  }
0x9b: {  	s22 =	simm.s32 $0x1BFF;
	s21 =	sshll.u32 s6, $0x1;
	s3 =	sadd.s32 s4, s19  }
0x9c: {  	s7 =	simm.s32 $0x0;
	s20 =	sshll.u32 s5, $0x1;
	s5 =	sadd.s32 s21, s3  }
0x9d: {  	[timem:s7], [sflag:s22] =	dma.local [hbm:s5], s20  }
0x9e: {  	_ =	swait.ge [sflag:s22], s20  }
0x9f: {  	s4 =	ssub.s32 $0x0, s20;
	[sflag:s22] =	ssyncset.done $0x0  }
0xa0: {  	[sflag:s22] =	ssyncadd.s32 s4;
	_ =	sdelay $0x1  }
0xa1: {  	s23 =	simm.s32 $0x1B8B  }
0xa2: {  	_ =	swait.ge [sflag:s23], $0x1  }
0xa3: {  	[sflag:s23] =	ssyncset.done $0x0  }
0xa4: {  	s25 =	simm.s32 $0x1B8E;
	s24 =	sld [smem:$0x3FFE];
	[sflag:s23] =	ssyncadd.s32 $0xFFFFFFFF  }
0xa5: {  	s26 =	simm.s32 $execute0_lowered;
	[smem:$0x3FD2] =	sst s25  }
0xa6: {  	s5 =	sshll.u32 s26, $0x1;
	_ =	strace $0x80000049;
	[dreg:$0x1] =	wrdreg $0xFFFFFFFF  }
0xa7: {  	s28 =	simm.s32 $_size_execute0_lowered;
	s3 =	sadd.s32 s3, s5;
	[dreg:$0x0] =	wrdreg $0x0  }
0xa8: {  	s5 =	sshll.u32 s28, $0x1;
	[dreg:$0x2] =	wrdreg s3  }
0xa9: {  	[dreg:$0x3] =	wrdreg s5  }
0xaa: {  	[dreg:$0x4] =	wrdreg $0xC0  }
0xab: {  	_ =	task [dreg:s7], $0x5FFFF  }
0xac: {  	[dreg:$0x1] =	wrdreg $0xFFFFFFFF  }
0xad: {  	[dreg:$0x0] =	wrdreg $0x60  }
0xae: {  	[dreg:$0x2] =	wrdreg s24  }
0xaf: {  	[dreg:$0x3] =	wrdreg s2  }
0xb0: {  	[dreg:$0x4] =	wrdreg $0x68000  }
0xb1: {  	[dreg:$0x5] =	wrdreg $0xA2B00  }
0xb2: {  	[dreg:$0x6] =	wrdreg $0x9  }
0xb3: {  	_ =	task.clear_ibuf [dreg:s7], $0x7FFFF;
	_ =	strace $0x90000049  }
0xb4: {  	s29 =	simm.s32 $0x9;
	_ =	strace $0x8000004B  }
0xb5: {  	_ =	swait.ge [sflag:s29], $0x1  }
0xb6: {  	[sflag:s29] =	ssyncadd.s32 $0xFFFFFFFF  }
0xb7: {  	_ =	strace $0x9000004B  }
0xb8: {  	_ =	sfence  }
0xb9: {  	s30 =	sld [smem:$0x0];
	_ =	sdelay $0x2  }
0xba: {  	s31 =	sshll.u32 s1, $0xD;
	s1 =	sshrl.u32 s1, $0x2  }
0xbb: {  	s3 =	sand.u32 $0x4000, s31;
	s1 =	sadd.s32 s1, s30  }
0xbc: {  	s0 =	sor.u32 s3, s0;
	s1 =	sshll.u32 s1, $0x11  }
0xbd: {  	s0 =	sor.u32 s1, s0  }
0xbe: {  	s0 =	sadd.s32 $0x8F2B, s0  }
0xbf: {  	[sflag:s0] =	ssyncadd.remote.s32 $0x1  }
0xc0: {  	_ =	sfence.sel $0xFFFF  }
0xc1: {  	[dreg:$0x0] =	wrdreg $0xFFFFFFFF;
	(pc) =	sbr.abs _section_cstart, $3  }
0xc2: {  	[dreg:$0x1] =	wrdreg $0xFFFFFFFF  }
0xc3: {  	_ =	task.clear_ibuf [dreg:s7], $0x2FFFF;
	_ =	strace $0x9FFFFFFF  }
0xc4: {  	(tm) =	ssettm $0x7FFFFFFF  }
0xc5: {  	_ =	shalt  }
tec
execute0_lowered:
.L_overlay_start_1:
0x0: {  	(tag) =	ssettag $0x1  }
0x1: {  	s5 =	rddreg [dreg:$0x0]  }
0x2: {  	s6 =	rddreg [dreg:$0x1]  }
0x3: {  	s0 =	stileid.u32;
	s2 =	rddreg [dreg:$0x2]  }
0x4: {  	s1 =	srdreg.scid;
	s3 =	rddreg [dreg:$0x3]  }
0x5: {  	s4 =	simm.s32 $0x0;
	s19 =	simm.s32 $0x5000;
	s20 =	simm.s32 $0x80  }
0x6: {  	s21 =	simm.s32 $0x5C00;
	s22 =	simm.s32 $0x1;
	s7 =	smul.u32 $0x7560, s0  }
0x7: {  	s23 =	simm.s32 $0x2;
	s24 =	simm.s32 $0x2780;
	s10 =	smul.u32 $0x2800, s0  }
0x8: {  	s25 =	simm.s32 $0x4F00;
	s8 =	sand.u32 $0x1, s1;
	s14 =	smul.u32 $0xEAC0, s0  }
0x9: {  	s28 =	simm.s32 $0x0;
	[smem:$0x7FF] =	sst s4;
	s9 =	smul.u32 $0x28000, s8  }
0xa: {  	s17 =	sshll.u32 s0, $0x6;
	s26 =	smul.u32 $0x75600, s8;
	_ =	strace $0x8000004A  }
0xb: {  	s8 =	ssub.s32 $0x2, s8;
	s17 =	sor.u32 $0x1C03, s17;
	s11 =	sshrl.u32 s7, $0x4  }
0xc: {  	s13 =	sshrl.u32 s8, $0x1;
	s29 =	sshrl.u32 s7, $0x1;
	s30 =	sshrl.u32 s14, $0x2  }
0xd: {  	s9 =	sadd.s32 s10, s9;
	s11 =	sadd.s32 s11, s5;
	s10 =	sadd.s32 s7, s26  }
0xe: {  	s16 =	ssub.s32 s8, s13;
	s18 =	sadd.s32 s29, s2;
	s31 =	sadd.s32 s30, s3  }
0xf: {  	s8 =	sadd.s32 s29, s3;
	s26 =	simm.s32 $0x4F80;
	s9 =	sshrl.u32 s9, $0x3  }
0x10: {  	s10 =	sshrl.u32 s10, $0x4;
	s7 =	sadd.s32 $0x1E00, s11;
	s11 =	sadd.s32 $0x2400, s31  }
0x11: {  	s14 =	smax.u32 s16, $0x1;
	s16 =	simm.s32 $0x2800;
	s18 =	sshrl.u32 s18, $0x3  }
0x12: {  	s12 =	sadd.s32 s9, s5;
	s15 =	sadd.s32 s10, s5;
	s5 =	sadd.s32 s6, s9  }
0x13: {  	s9 =	sadd.s32 $0xC00, s31;
	s10 =	sadd.s32 $0x1800, s31;
	s6 =	sadd.s32 $0x15800, s12  }
0x14: {  	v0 =	vimm.bf16 $0.0e+00;
	s12 =	sadd.s32 $0x3000, s31;
	s13 =	sadd.s32 $0x1F800, s15;
	s15 =	simm.s32 $0x3  }
.LBB2_1:
0x15: {  	[tilespmem:s4], [sflag:$0x3] =	stream.linear.gather [hbm4b:s5+s4], $0x2800, $0x38;
	[tilespmem:$0xDD60] =	vst v63  }
0x16: {  	_ =	swait.ge [sflag:s15], $0x2800  }
0x17: {  	[sflag:s15] =	ssyncset.done $0x0  }
0x18: {  	[sflag:s15] =	ssyncadd.s32 $0xFFFFD800  }
0x19: {  	[tilespmem:s16], [sflag:$0x3] =	stream.linear.gather [hbm4b:s6+s4], $0x2800, $0x38;
	[tilespmem:$0xDD60] =	vst v63  }
0x1a: {  	_ =	swait.ge [sflag:s15], $0x2800  }
0x1b: {  	[sflag:s15] =	ssyncset.done $0x0  }
0x1c: {  	[sflag:s15] =	ssyncadd.s32 $0xFFFFD800  }
0x1d: {  	[spmem:s18], [sflag:s17] =	dma.local [hbm:s7], $0x756  }
0x1e: {  	_ =	swait.ge [sflag:s15], $0x756  }
0x1f: {  	[sflag:s15] =	ssyncset.done $0x0  }
0x20: {  	s30 =	simm.s32 $0x0;
	[sflag:s15] =	ssyncadd.s32 $0xFFFFF8AA  }
0x21: {  	s29 =	simm.s32 $0x60;
	[tilespmem:s30+$0x5000] =	vst v0  }
.LBB2_2:
0x22: {  	p0 =	sne.s32 s29, $0x2FA0;
	[tilespmem:s30+$0x5008] =	vst v0;
	s30 =	smov.u32 s29;
	s29 =	sadd.s32 $0x60, s29  }
.Ltmp0:
0x23: {  	(pc) =	sbr.rel @p0 .LBB2_2-.Ltmp0, $3  }
0x24: {  	_ =	sdelay $0x1  }
0x25: {  	s30 =	sshra.s32 s30, $0x2  }
0x26: {  	[tilespmem:s30+$0x5000] =	vst v0  }
0x27: {  	[tilespmem:s30+$0x5008] =	vst v0  }
0x28: {  	[spmem:s8] =	stream.linear.scatter [tilespmem:s19], [sflag:$0x3], $0xC00, $0x38;
	[tilespmem:$0xDD60] =	vst v63  }
0x29: {  	_ =	swait.ge [sflag:s15], $0xC00  }
0x2a: {  	[sflag:s15] =	ssyncset.done $0x0  }
0x2b: {  	[sflag:s15] =	ssyncadd.s32 $0xFFFFF400  }
0x2c: {  	[spmem:s9] =	stream.linear.scatter [tilespmem:s19], [sflag:$0x3], $0xC00, $0x38;
	[tilespmem:$0xDD60] =	vst v63  }
0x2d: {  	_ =	swait.ge [sflag:s15], $0xC00  }
0x2e: {  	[sflag:s15] =	ssyncset.done $0x0  }
0x2f: {  	[sflag:s15] =	ssyncadd.s32 $0xFFFFF400  }
0x30: {  	[spmem:s10] =	stream.linear.scatter [tilespmem:s19], [sflag:$0x3], $0xC00, $0x38;
	[tilespmem:$0xDD60] =	vst v63  }
0x31: {  	_ =	swait.ge [sflag:s15], $0xC00  }
0x32: {  	[sflag:s15] =	ssyncset.done $0x0  }
0x33: {  	[sflag:s15] =	ssyncadd.s32 $0xFFFFF400  }
0x34: {  	[spmem:s11] =	stream.linear.scatter [tilespmem:s19], [sflag:$0x3], $0xC00, $0x38;
	[tilespmem:$0xDD60] =	vst v63  }
0x35: {  	_ =	swait.ge [sflag:s15], $0xC00  }
0x36: {  	[sflag:s15] =	ssyncset.done $0x0  }
0x37: {  	[sflag:s15] =	ssyncadd.s32 $0xFFFFF400  }
0x38: {  	[spmem:s12] =	stream.linear.scatter [tilespmem:s19], [sflag:$0x3], $0xAB0, $0x38;
	[tilespmem:$0xDD60] =	vst v63  }
0x39: {  	_ =	swait.ge [sflag:s15], $0xAB0  }
0x3a: {  	[sflag:s15] =	ssyncset.done $0x0  }
0x3b: {  	[sflag:s15] =	ssyncadd.s32 $0xFFFFF550  }
0x3c: {  	s29 =	simm.s32 $0x0;
	[bflag:$0x0] =	sbarrier.arrive $0xFFFF  }
0x3d: {  	[tilespmem:s19], [sflag:$0x1] =	stream.indirect.gather [spmem:s2], $0x18, s29, s20, $0xb8;
	[tilespmem:$0xDD60] =	vst v63  }
0x3e: {  	s29 =	simm.s32 $0x80  }
0x3f: {  	[tilespmem:s21], [sflag:$0x2] =	stream.indirect.gather [spmem:s2], $0x18, s29, s20, $0xb8;
	[tilespmem:$0xDD60] =	vst v63  }
0x40: {  	_ =	swait.ge [sflag:s22], $0xC00  }
0x41: {  	[sflag:s22] =	ssyncset.done $0x0  }
0x42: {  	s29 =	simm.s32 $0x2800;
	[sflag:s22] =	ssyncadd.s32 $0xFFFFF400  }
0x43: {  	[spmem:s3] =	stream.indirect.scatter.add.bf16 [tilespmem:s19], [sflag:$0x3], $0x18, s29, s20, $0xb8;
	[tilespmem:$0xDD60] =	vst v63  }
0x44: {  	_ =	swait.ge [sflag:s15], $0xC00  }
0x45: {  	[sflag:s15] =	ssyncset.done $0x0  }
0x46: {  	s29 =	simm.s32 $0x100;
	[sflag:s15] =	ssyncadd.s32 $0xFFFFF400  }
0x47: {  	[tilespmem:s19], [sflag:$0x1] =	stream.indirect.gather [spmem:s2], $0x18, s29, s20, $0xb8;
	[tilespmem:$0xDD60] =	vst v63  }
0x48: {  	_ =	swait.ge [sflag:s23], $0xC00  }
0x49: {  	[sflag:s23] =	ssyncset.done $0x0  }
0x4a: {  	s29 =	simm.s32 $0x2880;
	[sflag:s23] =	ssyncadd.s32 $0xFFFFF400  }
0x4b: {  	[spmem:s3] =	stream.indirect.scatter.add.bf16 [tilespmem:s21], [sflag:$0x3], $0x18, s29, s20, $0xb8;
	[tilespmem:$0xDD60] =	vst v63  }
0x4c: {  	_ =	swait.ge [sflag:s15], $0xC00  }
0x4d: {  	s30 =	simm.s32 $0x800;
	s29 =	simm.s32 $0x100;
	[sflag:s15] =	ssyncset.done $0x0  }
.LBB2_4:
0x4e: {  	s31 =	sadd.s32 $0x80, s29  }
0x4f: {  	[sflag:s15] =	ssyncadd.s32 $0xFFFFF400;
	s1 =	smov.u32 s30;
	s0 =	sadd.s32 $0x400, s30  }
0x50: {  	[tilespmem:s21], [sflag:$0x2] =	stream.indirect.gather [spmem:s2], $0x18, s31, s20, $0xb8;
	[tilespmem:$0xDD60] =	vst v63  }
0x51: {  	p0 =	sne.s32 s30, $0x9800;
	_ =	swait.ge [sflag:s22], $0xC00  }
0x52: {  	[sflag:s22] =	ssyncset.done $0x0  }
0x53: {  	s30 =	sadd.s32 $0x2800, s29;
	[sflag:s22] =	ssyncadd.s32 $0xFFFFF400  }
0x54: {  	[spmem:s3] =	stream.indirect.scatter.add.bf16 [tilespmem:s19], [sflag:$0x3], $0x18, s30, s20, $0xb8;
	[tilespmem:$0xDD60] =	vst v63  }
0x55: {  	_ =	swait.ge [sflag:s15], $0xC00  }
0x56: {  	[sflag:s15] =	ssyncset.done $0x0  }
0x57: {  	s30 =	sadd.s32 $0x100, s29;
	[sflag:s15] =	ssyncadd.s32 $0xFFFFF400  }
0x58: {  	[tilespmem:s19], [sflag:$0x1] =	stream.indirect.gather [spmem:s2], $0x18, s30, s20, $0xb8;
	[tilespmem:$0xDD60] =	vst v63  }
0x59: {  	_ =	swait.ge [sflag:s23], $0xC00  }
.Ltmp1:
0x5a: {  	[sflag:s23] =	ssyncset.done $0x0;
	(pc) =	sbr.rel @p0 .LBB2_4-.Ltmp1, $4  }
0x5b: {  	s29 =	sadd.s32 $0x2880, s29;
	[sflag:s23] =	ssyncadd.s32 $0xFFFFF400  }
0x5c: {  	[spmem:s3] =	stream.indirect.scatter.add.bf16 [tilespmem:s21], [sflag:$0x3], $0x18, s29, s20, $0xb8;
	[tilespmem:$0xDD60] =	vst v63  }
0x5d: {  	_ =	swait.ge [sflag:s15], $0xC00  }
0x5e: {  	s30 =	smov.u32 s0;
	s29 =	sshra.s32 s1, $0x2;
	[sflag:s15] =	ssyncset.done $0x0  }
0x5f: {  	s0 =	sadd.s32 $0x80, s29;
	[sflag:s15] =	ssyncadd.s32 $0xFFFFF400  }
0x60: {  	[tilespmem:s21], [sflag:$0x2] =	stream.indirect.gather [spmem:s2], $0x18, s0, s20, $0xb8;
	[tilespmem:$0xDD60] =	vst v63  }
0x61: {  	_ =	swait.ge [sflag:s22], $0xC00  }
0x62: {  	[sflag:s22] =	ssyncset.done $0x0  }
0x63: {  	s31 =	sadd.s32 $0x2800, s29;
	[sflag:s22] =	ssyncadd.s32 $0xFFFFF400  }
0x64: {  	[spmem:s3] =	stream.indirect.scatter.add.bf16 [tilespmem:s19], [sflag:$0x3], $0x18, s31, s20, $0xb8;
	[tilespmem:$0xDD60] =	vst v63  }
0x65: {  	_ =	swait.ge [sflag:s15], $0xC00  }
0x66: {  	[sflag:s15] =	ssyncset.done $0x0  }
0x67: {  	s1 =	sadd.s32 $0x100, s29;
	[sflag:s15] =	ssyncadd.s32 $0xFFFFF400  }
0x68: {  	[tilespmem:s19], [sflag:$0x1] =	stream.indirect.gather [spmem:s2], $0x18, s1, s20, $0xb8;
	[tilespmem:$0xDD60] =	vst v63  }
0x69: {  	_ =	swait.ge [sflag:s23], $0xC00  }
0x6a: {  	[sflag:s23] =	ssyncset.done $0x0  }
0x6b: {  	s30 =	sadd.s32 $0x2880, s29;
	[sflag:s23] =	ssyncadd.s32 $0xFFFFF400  }
0x6c: {  	[spmem:s3] =	stream.indirect.scatter.add.bf16 [tilespmem:s21], [sflag:$0x3], $0x18, s30, s20, $0xb8;
	[tilespmem:$0xDD60] =	vst v63  }
0x6d: {  	_ =	swait.ge [sflag:s15], $0xC00  }
0x6e: {  	[sflag:s15] =	ssyncset.done $0x0  }
0x6f: {  	[sflag:s15] =	ssyncadd.s32 $0xFFFFF400  }
0x70: {  	[tilespmem:s21], [sflag:$0x2] =	stream.indirect.gather [spmem:s2], $0x18, s24, s20, $0xb8;
	[tilespmem:$0xDD60] =	vst v63  }
0x71: {  	_ =	swait.ge [sflag:s22], $0xC00  }
0x72: {  	[sflag:s22] =	ssyncset.done $0x0  }
0x73: {  	[sflag:s22] =	ssyncadd.s32 $0xFFFFF400  }
0x74: {  	[spmem:s3] =	stream.indirect.scatter.add.bf16 [tilespmem:s19], [sflag:$0x3], $0x18, s25, s20, $0xb8;
	[tilespmem:$0xDD60] =	vst v63  }
0x75: {  	_ =	swait.ge [sflag:s15], $0xC00  }
0x76: {  	[sflag:s15] =	ssyncset.done $0x0  }
0x77: {  	[sflag:s15] =	ssyncadd.s32 $0xFFFFF400  }
0x78: {  	_ =	swait.ge [sflag:s23], $0xC00  }
0x79: {  	[sflag:s23] =	ssyncset.done $0x0  }
0x7a: {  	[sflag:s23] =	ssyncadd.s32 $0xFFFFF400  }
0x7b: {  	[spmem:s3] =	stream.indirect.scatter.add.bf16 [tilespmem:s21], [sflag:$0x3], $0x18, s26, s20, $0xb8;
	[tilespmem:$0xDD60] =	vst v63  }
0x7c: {  	_ =	swait.ge [sflag:s15], $0xC00  }
0x7d: {  	s28 =	sadd.s32 $0x1, s28;
	[sflag:s15] =	ssyncset.done $0x0  }
0x7e: {  	p0 =	sne.s32 s28, s14;
	[sflag:s15] =	ssyncadd.s32 $0xFFFFF400  }
.Ltmp2:
0x7f: {  	s31 =	sshrl.u32 s8, $0x3;
	[bflag:$0x0] =	sbarrier.arrive $0xFFFF;
	(pc) =	sbr.rel @p0 .LBB2_1-.Ltmp2, $4  }
0x80: {  	[hbm:s13], [sflag:s17] =	dma.local [spmem:s31], $0x756  }
0x81: {  	_ =	swait.ge [sflag:s15], $0x756  }
0x82: {  	[sflag:s15] =	ssyncset.done $0x0  }
0x83: {  	[sflag:s15] =	ssyncadd.s32 $0xFFFFF8AA  }
0x84: {  	_ =	sfence.sel $0x180000  }
0x85: {  	[bflag:$0x0] =	sbarrier.arrive $0xFFFF  }
0x86: {  	_ =	strace $0x9000004A  }
0x87: {  	s0 =	stileid.u32;
	[bflag:$0x2] =	sbarrier.arrive $0xFFFF  }
0x88: {  	p0 =	sne.s32 s0, $0x0;
	s0 =	rddreg [dreg:$0x4]  }
0x89: {  	s0 =	sadd.s32 @!p0 $0x100000, s0  }
0x8a: {  	[sflag:s0] =	ssyncadd.tile.s32 @!p0 $0x1;
	_ =	shalt  }
.Lfunc_end2:
_tile_overlayer_lowered:
.L_overlay_start_2:
0x8b: {  	(tag) =	ssettag $0x2  }
0x8c: {  	s0 =	rddreg [dreg:$0x0];
	s2 =	stileid.u32  }
0x8d: {  	s1 =	rddreg [dreg:$0x1];
	p0 =	sne.s32 s2, $0x0  }
0x8e: {  	s3 =	rddreg [dreg:$0x2];
	[bflag:$0x3] =	sbarrier.arrive $0xFFFF;
	s2 =	simm.s32 @!p0 $0x1C03  }
0x8f: {  	[timem:s3], [sflag:s2] =	dma.local @!p0 [hbm:s0], s1  }
0x90: {  	s0 =	simm.s32 @!p0 $0x3  }
0x91: {  	_ =	swait.ge @!p0 [sflag:s0], s1  }
0x92: {  	s1 =	ssub.s32 @!p0 $0x0, s1;
	[sflag:s0] =	ssyncset.done @!p0 $0x0  }
0x93: {  	[sflag:s0] =	ssyncadd.s32 @!p0 s1  }
0x94: {  	[bflag:$0x3] =	sbarrier.arrive $0xFFFF  }
0x95: {  	_ =	shalt  }

</sc_bundles>
